<compile_context>
chip_gen: v7x
topology: tpu7x:2x2x1
jax: 0.10.2.dev20260603
libtpu: 0.0.44.dev20260713+nightly
codegen_flags: <defaults>
</compile_context>

<pallas_src>
import functools

import jax
import jax.numpy as jnp
from jax import lax
from jax.experimental import pallas as pl
from jax.experimental.pallas import tpu as pltpu
from jax.experimental.pallas import tpu_sc as plsc

N_NODES = 10000
D = 128
N_EDGES = 320000

NC = 2
NS = 16
NW = NC * NS

CH = 128
N_CHUNKS = N_EDGES // CH
NB0 = 78
CORE0_TOTAL = NS * NB0 + 4
ACC_ROWS = 10240
ROWS_PER_TILE = ACC_ROWS // NS


def _linear_body(feat_ref, on_ref, w_ref, y_ref):
    x = feat_ref[...] / on_ref[...]
    y_ref[...] = lax.dot_general(
        x, w_ref[...], (((1,), (1,)), ((), ())),
        preferred_element_type=jnp.float32,
        precision=lax.Precision.DEFAULT,
    )


def _linear(feat, out_norm2d, W):
    blk = 1000
    return pl.pallas_call(
        _linear_body,
        grid=(N_NODES // blk,),
        in_specs=[
            pl.BlockSpec((blk, D), lambda i: (i, 0)),
            pl.BlockSpec((blk, 1), lambda i: (i, 0)),
            pl.BlockSpec((D, D), lambda i: (0, 0)),
        ],
        out_specs=pl.BlockSpec((blk, D), lambda i: (i, 0)),
        out_shape=jax.ShapeDtypeStruct((N_NODES, D), jnp.float32),
    )(feat, out_norm2d, W)


@functools.partial(
    pl.kernel,
    out_type=jax.ShapeDtypeStruct((NC, ACC_ROWS, D), jnp.float32),
    mesh=plsc.VectorSubcoreMesh(core_axis_name="c", subcore_axis_name="s"),
    scratch_types=[
        pltpu.VMEM((CH,), jnp.int32),
        pltpu.VMEM((CH,), jnp.int32),
        pltpu.VMEM((CH,), jnp.int32),
        pltpu.VMEM((CH,), jnp.int32),
        pltpu.VMEM((CH,), jnp.int32),
        pltpu.VMEM((CH,), jnp.int32),
        pltpu.VMEM((CH, D), jnp.float32),
        pltpu.VMEM((CH, D), jnp.float32),
        pltpu.VMEM_SHARED((ACC_ROWS, D), jnp.float32),
        pltpu.SemaphoreType.DMA,
        pltpu.SemaphoreType.DMA,
        pltpu.SemaphoreType.DMA,
        pltpu.SemaphoreType.DMA,
        pltpu.SemaphoreType.DMA,
        pltpu.SemaphoreType.DMA,
    ],
)
def _sc_aggregate(y_hbm, ei_hbm, out_hbm,
                  sidx0, sidx1, didx0, didx1, dscat0, dscat1, rows0, rows1, acc,
                  semi0, semi1, semg0, semg1, semsc0, semsc1):
    cid = lax.axis_index("c")
    sid = lax.axis_index("s")
    sidx = (sidx0, sidx1)
    didx = (didx0, didx1)
    dscat = (dscat0, dscat1)
    semi = (semi0, semi1)
    rows = (rows0, rows1)
    semg = (semg0, semg1)
    semsc = (semsc0, semsc1)

    base = jnp.where(cid == 0,
                     sid * NB0 + 2 * jnp.minimum(sid, 2),
                     CORE0_TOTAL + sid * NB0)
    n = jnp.where((cid == 0) & (sid < 2), NB0 + 2, NB0)

    def _stage_idx(c, b):
        pltpu.async_copy(ei_hbm.at[0, pl.ds((base + c) * CH, CH)], sidx[b], semi[b])
        pltpu.async_copy(ei_hbm.at[1, pl.ds((base + c) * CH, CH)], didx[b], semi[b])

    def _wait_idx(b):
        pltpu.make_async_copy(ei_hbm.at[0, pl.ds(0, CH)], sidx[b], semi[b]).wait()
        pltpu.make_async_copy(ei_hbm.at[1, pl.ds(0, CH)], didx[b], semi[b]).wait()

    def _fire_gather(c, b):
        pltpu.async_copy(y_hbm.at[sidx[b]], rows[b], semg[b])

    def _wait_gather(b):
        pltpu.make_async_copy(y_hbm.at[sidx[b]], rows[b], semg[b]).wait()

    def _fire_scatter(b):
        for t in range(CH // 16):
            dscat[b][pl.ds(t * 16, 16)] = didx[b][pl.ds(t * 16, 16)]
        pltpu.async_copy(rows[b], acc.at[dscat[b]], semsc[b], add=True)

    def _wait_scatter(b):
        pltpu.make_async_copy(rows[b], acc.at[dscat[b]], semsc[b]).wait()

    _stage_idx(0, 0)
    _stage_idx(1, 1)

    def _zrow(i, carry):
        for t in range(D // 16):
            rows0[i, pl.ds(t * 16, 16)] = jnp.zeros((16,), jnp.float32)
        return carry

    lax.fori_loop(0, CH, _zrow, 0)
    for r in range(ROWS_PER_TILE // CH):
        pltpu.sync_copy(rows0, acc.at[pl.ds(sid * ROWS_PER_TILE + r * CH, CH)])

    _wait_idx(0)
    _fire_gather(0, 0)
    plsc.subcore_barrier()

    def _step(i, carry):
        b = lax.rem(i, 2)
        nb = 1 - b
        cn = jnp.minimum(i + 1, n - 1)

        @pl.when(nb == 0)
        def _():
            _wait_scatter(0)
            _wait_idx(0)
            _fire_gather(cn, 0)

        @pl.when(nb == 1)
        def _():
            @pl.when(i > 0)
            def _():
                _wait_scatter(1)
            _wait_idx(1)
            _fire_gather(cn, 1)

        @pl.when(b == 0)
        def _():
            _wait_gather(0)
            _fire_scatter(0)
            _stage_idx(jnp.minimum(i + 2, n - 1), 0)

        @pl.when(b == 1)
        def _():
            _wait_gather(1)
            _fire_scatter(1)
            _stage_idx(jnp.minimum(i + 2, n - 1), 1)

        return carry

    lax.fori_loop(0, n, _step, 0)
    _wait_gather(0)
    _wait_idx(1)
    _wait_scatter(1)
    plsc.subcore_barrier()

    pltpu.sync_copy(
        acc.at[pl.ds(sid * ROWS_PER_TILE, ROWS_PER_TILE)],
        out_hbm.at[cid, pl.ds(sid * ROWS_PER_TILE, ROWS_PER_TILE)],
    )


def _combine_body(p_ref, inn_ref, b_ref, o_ref):
    o_ref[...] = (p_ref[0] + p_ref[1]) / inn_ref[...] + b_ref[...]


def _combine(partial, in_norm2d, b2d):
    blk = 2000
    return pl.pallas_call(
        _combine_body,
        grid=(N_NODES // blk,),
        in_specs=[
            pl.BlockSpec((NC, blk, D), lambda i: (0, i, 0)),
            pl.BlockSpec((blk, 1), lambda i: (i, 0)),
            pl.BlockSpec((1, D), lambda i: (0, 0)),
        ],
        out_specs=pl.BlockSpec((blk, D), lambda i: (i, 0)),
        out_shape=jax.ShapeDtypeStruct((N_NODES, D), jnp.float32),
    )(partial, in_norm2d, b2d)


def kernel(feat, in_norm, out_norm, edge_index, W, b):
    y = _linear(feat, out_norm.reshape(N_NODES, 1), W)

    partial = _sc_aggregate(y, edge_index.astype(jnp.int32))
    return _combine(partial, in_norm.reshape(N_NODES, 1), b.reshape(1, D))

# --- scband reference (transcript-rebuilt; emitter-appended) ---
"""Pipeline reference for scband-gcnlayer-with-22565758173847 (READ-ONLY COPY).

The authoritative reference and input builder live on the scoring server;
editing this copy changes nothing except your own understanding.
"""

import jax, jax.numpy as jnp
import numpy as np

N_NODES = 10000
N_EDGES = 320000
IN_FEATS = 128
OUT_FEATS = 128


def setup_inputs(seed: int = 0) -> dict:
    key = jax.random.key(seed)
    k_feat, k_edge, k_in, k_out, k_w, k_b = jax.random.split(key, 6)
    feat = jax.random.normal(k_feat, (N_NODES, IN_FEATS), dtype=jnp.float32)
    edge_index = jax.random.randint(k_edge, (2, N_EDGES), 0, N_NODES, dtype=jnp.int64 if jax.config.jax_enable_x64 else jnp.int32).astype(jnp.int32)
    # degree-style norms: positive values (sqrt-degree analogs), keep away from zero
    in_norm = jax.random.uniform(k_in, (N_NODES,), dtype=jnp.float32, minval=0.5, maxval=8.0)
    out_norm = jax.random.uniform(k_out, (N_NODES,), dtype=jnp.float32, minval=0.5, maxval=8.0)
    # linear params, init like reset_parameters: uniform(-stdv, stdv), stdv = 1/sqrt(in_feats)
    stdv = 1.0 / np.sqrt(IN_FEATS)
    W = jax.random.uniform(k_w, (OUT_FEATS, IN_FEATS), dtype=jnp.float32, minval=-stdv, maxval=stdv)
    b = jax.random.uniform(k_b, (OUT_FEATS,), dtype=jnp.float32, minval=-stdv, maxval=stdv)
    return {"feat": feat, "in_norm": in_norm, "out_norm": out_norm, "edge_index": edge_index, "W": W, "b": b}


def reference(feat, in_norm, out_norm, edge_index, W, b):
    # GCNLayer_with.forward, training=True, use_pp=False path:
    #   in_norm  = in_norm.unsqueeze(1)
    #   out_norm = out_norm.unsqueeze(1)
    #   h = feat / out_norm                       (source-side normalization)
    #   update_all(copy_u('h','m'), sum('m','h')) (scatter-add messages src->dst)
    #   feat = linear(h_agg / in_norm)
    in_n = in_norm[:, None]
    out_n = out_norm[:, None]
    h = feat / out_n
    src = edge_index[0]
    dst = edge_index[1]
    msg = jnp.take(h, src, axis=0)                       # gather: copy_u
    agg = jax.ops.segment_sum(msg, dst, num_segments=feat.shape[0])  # scatter-add: fn.sum
    out = (agg / in_n) @ W.T + b                         # nn.Linear
    return out

if __name__ == "__main__":
    import jax
    _d = setup_inputs()
    print(jax.jit(kernel)(*tuple(_d.values())))

</pallas_src>

<mosaic_0001>
#map = affine_map<(d0, d1) -> (0, 0)>
#map1 = affine_map<(d0, d1) -> (0, 0, 0)>
module attributes {stable_mosaic.version = 14 : i64} {
  func.func @_sc_aggregate(%arg0: i32, %arg1: i32, %arg2: memref<10000x128xf32, #tpu.memory_space<hbm>>, %arg3: memref<2x320000xi32, #tpu.memory_space<hbm>>, %arg4: memref<2x10240x128xf32, #tpu.memory_space<hbm>>, %arg5: memref<128xi32, #tpu.memory_space<vmem>>, %arg6: memref<128xi32, #tpu.memory_space<vmem>>, %arg7: memref<128xi32, #tpu.memory_space<vmem>>, %arg8: memref<128xi32, #tpu.memory_space<vmem>>, %arg9: memref<128xi32, #tpu.memory_space<vmem>>, %arg10: memref<128xi32, #tpu.memory_space<vmem>>, %arg11: memref<128x128xf32, #tpu.memory_space<vmem>>, %arg12: memref<128x128xf32, #tpu.memory_space<vmem>>, %arg13: memref<10240x128xf32, #tpu.memory_space<vmem_shared>>, %arg14: memref<!tpu.dma_semaphore, #tpu.memory_space<semaphore_mem>>, %arg15: memref<!tpu.dma_semaphore, #tpu.memory_space<semaphore_mem>>, %arg16: memref<!tpu.dma_semaphore, #tpu.memory_space<semaphore_mem>>, %arg17: memref<!tpu.dma_semaphore, #tpu.memory_space<semaphore_mem>>, %arg18: memref<!tpu.dma_semaphore, #tpu.memory_space<semaphore_mem>>, %arg19: memref<!tpu.dma_semaphore, #tpu.memory_space<semaphore_mem>>) attributes {dimension_semantics = [#tpu.dimension_semantics<core_parallel>, #tpu.dimension_semantics<subcore_parallel>], iteration_bounds = array<i64: 2, 16>, scalar_prefetch = 0 : i64, scratch_operands = 15 : i64, tpu.core_type = #tpu.core_type<sc_vector_subcore>, window_params = [{transform_indices = #map}, {transform_indices = #map}, {transform_indices = #map1}]} {
    %eq3A = arith.constant 0 : i32
    %eq3A_0 = arith.cmpi eq, %arg0, %eq3A : i32
    %mul3A = arith.constant 78 : i32
    %mul3A_1 = arith.muli %arg1, %mul3A : i32
    %min3A = arith.constant 2 : i32
    %min3A_2 = arith.minsi %arg1, %min3A : i32
    %mul3A_3 = arith.constant 2 : i32
    %mul3A_4 = arith.muli %mul3A_3, %min3A_2 : i32
    %add3A = arith.addi %mul3A_1, %mul3A_4 : i32
    %mul3A_5 = arith.constant 78 : i32
    %mul3A_6 = arith.muli %arg1, %mul3A_5 : i32
    %add3A_7 = arith.constant 1252 : i32
    %add3A_8 = arith.addi %add3A_7, %mul3A_6 : i32
    %select_n3A = arith.select %eq3A_0, %add3A, %add3A_8 : i32
    %eq3A_9 = arith.constant 0 : i32
    %eq3A_10 = arith.cmpi eq, %arg0, %eq3A_9 : i32
    %lt3A = arith.constant 2 : i32
    %lt3A_11 = arith.cmpi slt, %arg1, %lt3A : i32
    %and3A = arith.andi %eq3A_10, %lt3A_11 : i1
    %jit3A = arith.constant 80 : i32
    %jit3A_12 = arith.constant 78 : i32
    %select_n3A_13 = arith.select %and3A, %jit3A, %jit3A_12 : i32
    %add3A_14 = arith.constant 0 : i32
    %add3A_15 = arith.addi %select_n3A, %add3A_14 : i32
    %mul3A_16 = arith.constant 128 : i32
    %mul3A_17 = arith.muli %add3A_15, %mul3A_16 : i32
    %dma_start3A = arith.constant 0 : i32
    %dma_start3A_18 = tpu.memref_slice %arg3[%dma_start3A, %mul3A_17] : memref<2x320000xi32, #tpu.memory_space<hbm>> -> memref<1x128xi32, #tpu.memory_space<hbm>>
    %dma_start3A_19 = tpu.memref_squeeze %dma_start3A_18 : memref<1x128xi32, #tpu.memory_space<hbm>> -> memref<128xi32, #tpu.memory_space<hbm>>
    %dma_start3A_20 = tpu.memref_slice %arg3[%dma_start3A, %mul3A_17] : memref<2x320000xi32, #tpu.memory_space<hbm>> -> memref<1x128xi32, #tpu.memory_space<hbm>>
    %dma_start3A_21 = tpu.memref_squeeze %dma_start3A_20 : memref<1x128xi32, #tpu.memory_space<hbm>> -> memref<128xi32, #tpu.memory_space<hbm>>
    tpu.enqueue_dma source(%dma_start3A_21 : memref<128xi32, #tpu.memory_space<hbm>>) target(%arg5 : memref<128xi32, #tpu.memory_space<vmem>>) target_semaphore(%arg14 : memref<!tpu.dma_semaphore, #tpu.memory_space<semaphore_mem>>)
    %add3A_22 = arith.constant 0 : i32
    %add3A_23 = arith.addi %select_n3A, %add3A_22 : i32
    %mul3A_24 = arith.constant 128 : i32
    %mul3A_25 = arith.muli %add3A_23, %mul3A_24 : i32
    %dma_start3A_26 = arith.constant 1 : i32
    %dma_start3A_27 = tpu.memref_slice %arg3[%dma_start3A_26, %mul3A_25] : memref<2x320000xi32, #tpu.memory_space<hbm>> -> memref<1x128xi32, #tpu.memory_space<hbm>>
    %dma_start3A_28 = tpu.memref_squeeze %dma_start3A_27 : memref<1x128xi32, #tpu.memory_space<hbm>> -> memref<128xi32, #tpu.memory_space<hbm>>
    %dma_start3A_29 = tpu.memref_slice %arg3[%dma_start3A_26, %mul3A_25] : memref<2x320000xi32, #tpu.memory_space<hbm>> -> memref<1x128xi32, #tpu.memory_space<hbm>>
    %dma_start3A_30 = tpu.memref_squeeze %dma_start3A_29 : memref<1x128xi32, #tpu.memory_space<hbm>> -> memref<128xi32, #tpu.memory_space<hbm>>
    tpu.enqueue_dma source(%dma_start3A_30 : memref<128xi32, #tpu.memory_space<hbm>>) target(%arg7 : memref<128xi32, #tpu.memory_space<vmem>>) target_semaphore(%arg14 : memref<!tpu.dma_semaphore, #tpu.memory_space<semaphore_mem>>)
    %add3A_31 = arith.constant 1 : i32
    %add3A_32 = arith.addi %select_n3A, %add3A_31 : i32
    %mul3A_33 = arith.constant 128 : i32
    %mul3A_34 = arith.muli %add3A_32, %mul3A_33 : i32
    %dma_start3A_35 = arith.constant 0 : i32
    %dma_start3A_36 = tpu.memref_slice %arg3[%dma_start3A_35, %mul3A_34] : memref<2x320000xi32, #tpu.memory_space<hbm>> -> memref<1x128xi32, #tpu.memory_space<hbm>>
    %dma_start3A_37 = tpu.memref_squeeze %dma_start3A_36 : memref<1x128xi32, #tpu.memory_space<hbm>> -> memref<128xi32, #tpu.memory_space<hbm>>
    %dma_start3A_38 = tpu.memref_slice %arg3[%dma_start3A_35, %mul3A_34] : memref<2x320000xi32, #tpu.memory_space<hbm>> -> memref<1x128xi32, #tpu.memory_space<hbm>>
    %dma_start3A_39 = tpu.memref_squeeze %dma_start3A_38 : memref<1x128xi32, #tpu.memory_space<hbm>> -> memref<128xi32, #tpu.memory_space<hbm>>
    tpu.enqueue_dma source(%dma_start3A_39 : memref<128xi32, #tpu.memory_space<hbm>>) target(%arg6 : memref<128xi32, #tpu.memory_space<vmem>>) target_semaphore(%arg15 : memref<!tpu.dma_semaphore, #tpu.memory_space<semaphore_mem>>)
    %add3A_40 = arith.constant 1 : i32
    %add3A_41 = arith.addi %select_n3A, %add3A_40 : i32
    %mul3A_42 = arith.constant 128 : i32
    %mul3A_43 = arith.muli %add3A_41, %mul3A_42 : i32
    %dma_start3A_44 = arith.constant 1 : i32
    %dma_start3A_45 = tpu.memref_slice %arg3[%dma_start3A_44, %mul3A_43] : memref<2x320000xi32, #tpu.memory_space<hbm>> -> memref<1x128xi32, #tpu.memory_space<hbm>>
    %dma_start3A_46 = tpu.memref_squeeze %dma_start3A_45 : memref<1x128xi32, #tpu.memory_space<hbm>> -> memref<128xi32, #tpu.memory_space<hbm>>
    %dma_start3A_47 = tpu.memref_slice %arg3[%dma_start3A_44, %mul3A_43] : memref<2x320000xi32, #tpu.memory_space<hbm>> -> memref<1x128xi32, #tpu.memory_space<hbm>>
    %dma_start3A_48 = tpu.memref_squeeze %dma_start3A_47 : memref<1x128xi32, #tpu.memory_space<hbm>> -> memref<128xi32, #tpu.memory_space<hbm>>
    tpu.enqueue_dma source(%dma_start3A_48 : memref<128xi32, #tpu.memory_space<hbm>>) target(%arg8 : memref<128xi32, #tpu.memory_space<vmem>>) target_semaphore(%arg15 : memref<!tpu.dma_semaphore, #tpu.memory_space<semaphore_mem>>)
    %scan3A = arith.constant 0 : i32
    %scan3A_49 = arith.constant 0 : i32
    %scan3A_50 = arith.constant 128 : i32
    %scan3A_51 = arith.addi %scan3A_49, %scan3A_50 : i32
    %scan3A_52 = arith.constant 1 : i32
    scf.for %scan3A_124 = %scan3A_49 to %scan3A_51 step %scan3A_52  : i32 {
      %broadcast_in_dim3A = arith.constant 0.000000e+00 : f32
      %broadcast_in_dim3A_125 = vector.broadcast %broadcast_in_dim3A : f32 to vector<16xf32>
      %swap3A = arith.index_cast %scan3A_124 : i32 to index
      %swap3A_126 = arith.constant 0 : index
      %swap3A_127 = tpu.vector_load %arg11[%swap3A, %swap3A_126] {strides = array<i32>} : memref<128x128xf32, #tpu.memory_space<vmem>>, vector<1x16xf32>,
      %swap3A_128 = vector.shape_cast %swap3A_127 : vector<1x16xf32> to vector<16xf32>
      %swap3A_129 = vector.shape_cast %broadcast_in_dim3A_125 : vector<16xf32> to vector<1x16xf32>
      tpu.vector_store %arg11[%swap3A, %swap3A_126], %swap3A_129 {strides = array<i32>} : memref<128x128xf32, #tpu.memory_space<vmem>>, vector<1x16xf32>,
      %broadcast_in_dim3A_130 = arith.constant 0.000000e+00 : f32
      %broadcast_in_dim3A_131 = vector.broadcast %broadcast_in_dim3A_130 : f32 to vector<16xf32>
      %swap3A_132 = arith.index_cast %scan3A_124 : i32 to index
      %swap3A_133 = arith.constant 16 : index
      %swap3A_134 = tpu.vector_load %arg11[%swap3A_132, %swap3A_133] {strides = array<i32>} : memref<128x128xf32, #tpu.memory_space<vmem>>, vector<1x16xf32>,
      %swap3A_135 = vector.shape_cast %swap3A_134 : vector<1x16xf32> to vector<16xf32>
      %swap3A_136 = vector.shape_cast %broadcast_in_dim3A_131 : vector<16xf32> to vector<1x16xf32>
      tpu.vector_store %arg11[%swap3A_132, %swap3A_133], %swap3A_136 {strides = array<i32>} : memref<128x128xf32, #tpu.memory_space<vmem>>, vector<1x16xf32>,
      %broadcast_in_dim3A_137 = arith.constant 0.000000e+00 : f32
      %broadcast_in_dim3A_138 = vector.broadcast %broadcast_in_dim3A_137 : f32 to vector<16xf32>
      %swap3A_139 = arith.index_cast %scan3A_124 : i32 to index
      %swap3A_140 = arith.constant 32 : index
      %swap3A_141 = tpu.vector_load %arg11[%swap3A_139, %swap3A_140] {strides = array<i32>} : memref<128x128xf32, #tpu.memory_space<vmem>>, vector<1x16xf32>,
      %swap3A_142 = vector.shape_cast %swap3A_141 : vector<1x16xf32> to vector<16xf32>
      %swap3A_143 = vector.shape_cast %broadcast_in_dim3A_138 : vector<16xf32> to vector<1x16xf32>
      tpu.vector_store %arg11[%swap3A_139, %swap3A_140], %swap3A_143 {strides = array<i32>} : memref<128x128xf32, #tpu.memory_space<vmem>>, vector<1x16xf32>,
      %broadcast_in_dim3A_144 = arith.constant 0.000000e+00 : f32
      %broadcast_in_dim3A_145 = vector.broadcast %broadcast_in_dim3A_144 : f32 to vector<16xf32>
      %swap3A_146 = arith.index_cast %scan3A_124 : i32 to index
      %swap3A_147 = arith.constant 48 : index
      %swap3A_148 = tpu.vector_load %arg11[%swap3A_146, %swap3A_147] {strides = array<i32>} : memref<128x128xf32, #tpu.memory_space<vmem>>, vector<1x16xf32>,
      %swap3A_149 = vector.shape_cast %swap3A_148 : vector<1x16xf32> to vector<16xf32>
      %swap3A_150 = vector.shape_cast %broadcast_in_dim3A_145 : vector<16xf32> to vector<1x16xf32>
      tpu.vector_store %arg11[%swap3A_146, %swap3A_147], %swap3A_150 {strides = array<i32>} : memref<128x128xf32, #tpu.memory_space<vmem>>, vector<1x16xf32>,
      %broadcast_in_dim3A_151 = arith.constant 0.000000e+00 : f32
      %broadcast_in_dim3A_152 = vector.broadcast %broadcast_in_dim3A_151 : f32 to vector<16xf32>
      %swap3A_153 = arith.index_cast %scan3A_124 : i32 to index
      %swap3A_154 = arith.constant 64 : index
      %swap3A_155 = tpu.vector_load %arg11[%swap3A_153, %swap3A_154] {strides = array<i32>} : memref<128x128xf32, #tpu.memory_space<vmem>>, vector<1x16xf32>,
      %swap3A_156 = vector.shape_cast %swap3A_155 : vector<1x16xf32> to vector<16xf32>
      %swap3A_157 = vector.shape_cast %broadcast_in_dim3A_152 : vector<16xf32> to vector<1x16xf32>
      tpu.vector_store %arg11[%swap3A_153, %swap3A_154], %swap3A_157 {strides = array<i32>} : memref<128x128xf32, #tpu.memory_space<vmem>>, vector<1x16xf32>,
      %broadcast_in_dim3A_158 = arith.constant 0.000000e+00 : f32
      %broadcast_in_dim3A_159 = vector.broadcast %broadcast_in_dim3A_158 : f32 to vector<16xf32>
      %swap3A_160 = arith.index_cast %scan3A_124 : i32 to index
      %swap3A_161 = arith.constant 80 : index
      %swap3A_162 = tpu.vector_load %arg11[%swap3A_160, %swap3A_161] {strides = array<i32>} : memref<128x128xf32, #tpu.memory_space<vmem>>, vector<1x16xf32>,
      %swap3A_163 = vector.shape_cast %swap3A_162 : vector<1x16xf32> to vector<16xf32>
      %swap3A_164 = vector.shape_cast %broadcast_in_dim3A_159 : vector<16xf32> to vector<1x16xf32>
      tpu.vector_store %arg11[%swap3A_160, %swap3A_161], %swap3A_164 {strides = array<i32>} : memref<128x128xf32, #tpu.memory_space<vmem>>, vector<1x16xf32>,
      %broadcast_in_dim3A_165 = arith.constant 0.000000e+00 : f32
      %broadcast_in_dim3A_166 = vector.broadcast %broadcast_in_dim3A_165 : f32 to vector<16xf32>
      %swap3A_167 = arith.index_cast %scan3A_124 : i32 to index
      %swap3A_168 = arith.constant 96 : index
      %swap3A_169 = tpu.vector_load %arg11[%swap3A_167, %swap3A_168] {strides = array<i32>} : memref<128x128xf32, #tpu.memory_space<vmem>>, vector<1x16xf32>,
      %swap3A_170 = vector.shape_cast %swap3A_169 : vector<1x16xf32> to vector<16xf32>
      %swap3A_171 = vector.shape_cast %broadcast_in_dim3A_166 : vector<16xf32> to vector<1x16xf32>
      tpu.vector_store %arg11[%swap3A_167, %swap3A_168], %swap3A_171 {strides = array<i32>} : memref<128x128xf32, #tpu.memory_space<vmem>>, vector<1x16xf32>,
      %broadcast_in_dim3A_172 = arith.constant 0.000000e+00 : f32
      %broadcast_in_dim3A_173 = vector.broadcast %broadcast_in_dim3A_172 : f32 to vector<16xf32>
      %swap3A_174 = arith.index_cast %scan3A_124 : i32 to index
      %swap3A_175 = arith.constant 112 : index
      %swap3A_176 = tpu.vector_load %arg11[%swap3A_174, %swap3A_175] {strides = array<i32>} : memref<128x128xf32, #tpu.memory_space<vmem>>, vector<1x16xf32>,
      %swap3A_177 = vector.shape_cast %swap3A_176 : vector<1x16xf32> to vector<16xf32>
      %swap3A_178 = vector.shape_cast %broadcast_in_dim3A_173 : vector<16xf32> to vector<1x16xf32>
      tpu.vector_store %arg11[%swap3A_174, %swap3A_175], %swap3A_178 {strides = array<i32>} : memref<128x128xf32, #tpu.memory_space<vmem>>, vector<1x16xf32>,
    }
    %scan3A_53 = arith.constant 128 : i32
    %mul3A_54 = arith.constant 640 : i32
    %mul3A_55 = arith.muli %arg1, %mul3A_54 : i32
    %add3A_56 = arith.constant 0 : i32
    %add3A_57 = arith.addi %mul3A_55, %add3A_56 : i32
    "tpu.region"() ({
      %run_scoped3A = tpu.sem_alloc : memref<!tpu.dma_semaphore, #tpu.memory_space<semaphore_mem>>
      %dma_start3A_124 = arith.constant 0 : i32
      %dma_start3A_125 = tpu.memref_slice %arg13[%add3A_57, %dma_start3A_124] : memref<10240x128xf32, #tpu.memory_space<vmem_shared>> -> memref<128x128xf32, #tpu.memory_space<vmem_shared>>
      %dma_start3A_126 = arith.constant 0 : i32
      %dma_start3A_127 = tpu.memref_slice %arg13[%add3A_57, %dma_start3A_126] : memref<10240x128xf32, #tpu.memory_space<vmem_shared>> -> memref<128x128xf32, #tpu.memory_space<vmem_shared>>
      tpu.enqueue_dma source(%arg11 : memref<128x128xf32, #tpu.memory_space<vmem>>) target(%dma_start3A_127 : memref<128x128xf32, #tpu.memory_space<vmem_shared>>) target_semaphore(%run_scoped3A : memref<!tpu.dma_semaphore, #tpu.memory_space<semaphore_mem>>)
      %dma_wait3A_128 = arith.constant 0 : i32
      %dma_wait3A_129 = tpu.memref_slice %arg13[%add3A_57, %dma_wait3A_128] : memref<10240x128xf32, #tpu.memory_space<vmem_shared>> -> memref<128x128xf32, #tpu.memory_space<vmem_shared>>
      %dma_wait3A_130 = arith.constant 0 : i32
      %dma_wait3A_131 = tpu.memref_slice %arg13[%add3A_57, %dma_wait3A_130] : memref<10240x128xf32, #tpu.memory_space<vmem_shared>> -> memref<128x128xf32, #tpu.memory_space<vmem_shared>>
      tpu.wait_dma2 semaphore(%run_scoped3A : memref<!tpu.dma_semaphore, #tpu.memory_space<semaphore_mem>>) src(%arg11 : memref<128x128xf32, #tpu.memory_space<vmem>>) dst(%dma_wait3A_131 : memref<128x128xf32, #tpu.memory_space<vmem_shared>>)
      tpu.yield
    }) : () -> ()
    %mul3A_58 = arith.constant 640 : i32
    %mul3A_59 = arith.muli %arg1, %mul3A_58 : i32
    %add3A_60 = arith.constant 128 : i32
    %add3A_61 = arith.addi %mul3A_59, %add3A_60 : i32
    "tpu.region"() ({
      %run_scoped3A = tpu.sem_alloc : memref<!tpu.dma_semaphore, #tpu.memory_space<semaphore_mem>>
      %dma_start3A_124 = arith.constant 0 : i32
      %dma_start3A_125 = tpu.memref_slice %arg13[%add3A_61, %dma_start3A_124] : memref<10240x128xf32, #tpu.memory_space<vmem_shared>> -> memref<128x128xf32, #tpu.memory_space<vmem_shared>>
      %dma_start3A_126 = arith.constant 0 : i32
      %dma_start3A_127 = tpu.memref_slice %arg13[%add3A_61, %dma_start3A_126] : memref<10240x128xf32, #tpu.memory_space<vmem_shared>> -> memref<128x128xf32, #tpu.memory_space<vmem_shared>>
      tpu.enqueue_dma source(%arg11 : memref<128x128xf32, #tpu.memory_space<vmem>>) target(%dma_start3A_127 : memref<128x128xf32, #tpu.memory_space<vmem_shared>>) target_semaphore(%run_scoped3A : memref<!tpu.dma_semaphore, #tpu.memory_space<semaphore_mem>>)
      %dma_wait3A_128 = arith.constant 0 : i32
      %dma_wait3A_129 = tpu.memref_slice %arg13[%add3A_61, %dma_wait3A_128] : memref<10240x128xf32, #tpu.memory_space<vmem_shared>> -> memref<128x128xf32, #tpu.memory_space<vmem_shared>>
      %dma_wait3A_130 = arith.constant 0 : i32
      %dma_wait3A_131 = tpu.memref_slice %arg13[%add3A_61, %dma_wait3A_130] : memref<10240x128xf32, #tpu.memory_space<vmem_shared>> -> memref<128x128xf32, #tpu.memory_space<vmem_shared>>
      tpu.wait_dma2 semaphore(%run_scoped3A : memref<!tpu.dma_semaphore, #tpu.memory_space<semaphore_mem>>) src(%arg11 : memref<128x128xf32, #tpu.memory_space<vmem>>) dst(%dma_wait3A_131 : memref<128x128xf32, #tpu.memory_space<vmem_shared>>)
      tpu.yield
    }) : () -> ()
    %mul3A_62 = arith.constant 640 : i32
    %mul3A_63 = arith.muli %arg1, %mul3A_62 : i32
    %add3A_64 = arith.constant 256 : i32
    %add3A_65 = arith.addi %mul3A_63, %add3A_64 : i32
    "tpu.region"() ({
      %run_scoped3A = tpu.sem_alloc : memref<!tpu.dma_semaphore, #tpu.memory_space<semaphore_mem>>
      %dma_start3A_124 = arith.constant 0 : i32
      %dma_start3A_125 = tpu.memref_slice %arg13[%add3A_65, %dma_start3A_124] : memref<10240x128xf32, #tpu.memory_space<vmem_shared>> -> memref<128x128xf32, #tpu.memory_space<vmem_shared>>
      %dma_start3A_126 = arith.constant 0 : i32
      %dma_start3A_127 = tpu.memref_slice %arg13[%add3A_65, %dma_start3A_126] : memref<10240x128xf32, #tpu.memory_space<vmem_shared>> -> memref<128x128xf32, #tpu.memory_space<vmem_shared>>
      tpu.enqueue_dma source(%arg11 : memref<128x128xf32, #tpu.memory_space<vmem>>) target(%dma_start3A_127 : memref<128x128xf32, #tpu.memory_space<vmem_shared>>) target_semaphore(%run_scoped3A : memref<!tpu.dma_semaphore, #tpu.memory_space<semaphore_mem>>)
      %dma_wait3A_128 = arith.constant 0 : i32
      %dma_wait3A_129 = tpu.memref_slice %arg13[%add3A_65, %dma_wait3A_128] : memref<10240x128xf32, #tpu.memory_space<vmem_shared>> -> memref<128x128xf32, #tpu.memory_space<vmem_shared>>
      %dma_wait3A_130 = arith.constant 0 : i32
      %dma_wait3A_131 = tpu.memref_slice %arg13[%add3A_65, %dma_wait3A_130] : memref<10240x128xf32, #tpu.memory_space<vmem_shared>> -> memref<128x128xf32, #tpu.memory_space<vmem_shared>>
      tpu.wait_dma2 semaphore(%run_scoped3A : memref<!tpu.dma_semaphore, #tpu.memory_space<semaphore_mem>>) src(%arg11 : memref<128x128xf32, #tpu.memory_space<vmem>>) dst(%dma_wait3A_131 : memref<128x128xf32, #tpu.memory_space<vmem_shared>>)
      tpu.yield
    }) : () -> ()
    %mul3A_66 = arith.constant 640 : i32
    %mul3A_67 = arith.muli %arg1, %mul3A_66 : i32
    %add3A_68 = arith.constant 384 : i32
    %add3A_69 = arith.addi %mul3A_67, %add3A_68 : i32
    "tpu.region"() ({
      %run_scoped3A = tpu.sem_alloc : memref<!tpu.dma_semaphore, #tpu.memory_space<semaphore_mem>>
      %dma_start3A_124 = arith.constant 0 : i32
      %dma_start3A_125 = tpu.memref_slice %arg13[%add3A_69, %dma_start3A_124] : memref<10240x128xf32, #tpu.memory_space<vmem_shared>> -> memref<128x128xf32, #tpu.memory_space<vmem_shared>>
      %dma_start3A_126 = arith.constant 0 : i32
      %dma_start3A_127 = tpu.memref_slice %arg13[%add3A_69, %dma_start3A_126] : memref<10240x128xf32, #tpu.memory_space<vmem_shared>> -> memref<128x128xf32, #tpu.memory_space<vmem_shared>>
      tpu.enqueue_dma source(%arg11 : memref<128x128xf32, #tpu.memory_space<vmem>>) target(%dma_start3A_127 : memref<128x128xf32, #tpu.memory_space<vmem_shared>>) target_semaphore(%run_scoped3A : memref<!tpu.dma_semaphore, #tpu.memory_space<semaphore_mem>>)
      %dma_wait3A_128 = arith.constant 0 : i32
      %dma_wait3A_129 = tpu.memref_slice %arg13[%add3A_69, %dma_wait3A_128] : memref<10240x128xf32, #tpu.memory_space<vmem_shared>> -> memref<128x128xf32, #tpu.memory_space<vmem_shared>>
      %dma_wait3A_130 = arith.constant 0 : i32
      %dma_wait3A_131 = tpu.memref_slice %arg13[%add3A_69, %dma_wait3A_130] : memref<10240x128xf32, #tpu.memory_space<vmem_shared>> -> memref<128x128xf32, #tpu.memory_space<vmem_shared>>
      tpu.wait_dma2 semaphore(%run_scoped3A : memref<!tpu.dma_semaphore, #tpu.memory_space<semaphore_mem>>) src(%arg11 : memref<128x128xf32, #tpu.memory_space<vmem>>) dst(%dma_wait3A_131 : memref<128x128xf32, #tpu.memory_space<vmem_shared>>)
      tpu.yield
    }) : () -> ()
    %mul3A_70 = arith.constant 640 : i32
    %mul3A_71 = arith.muli %arg1, %mul3A_70 : i32
    %add3A_72 = arith.constant 512 : i32
    %add3A_73 = arith.addi %mul3A_71, %add3A_72 : i32
    "tpu.region"() ({
      %run_scoped3A = tpu.sem_alloc : memref<!tpu.dma_semaphore, #tpu.memory_space<semaphore_mem>>
      %dma_start3A_124 = arith.constant 0 : i32
      %dma_start3A_125 = tpu.memref_slice %arg13[%add3A_73, %dma_start3A_124] : memref<10240x128xf32, #tpu.memory_space<vmem_shared>> -> memref<128x128xf32, #tpu.memory_space<vmem_shared>>
      %dma_start3A_126 = arith.constant 0 : i32
      %dma_start3A_127 = tpu.memref_slice %arg13[%add3A_73, %dma_start3A_126] : memref<10240x128xf32, #tpu.memory_space<vmem_shared>> -> memref<128x128xf32, #tpu.memory_space<vmem_shared>>
      tpu.enqueue_dma source(%arg11 : memref<128x128xf32, #tpu.memory_space<vmem>>) target(%dma_start3A_127 : memref<128x128xf32, #tpu.memory_space<vmem_shared>>) target_semaphore(%run_scoped3A : memref<!tpu.dma_semaphore, #tpu.memory_space<semaphore_mem>>)
      %dma_wait3A_128 = arith.constant 0 : i32
      %dma_wait3A_129 = tpu.memref_slice %arg13[%add3A_73, %dma_wait3A_128] : memref<10240x128xf32, #tpu.memory_space<vmem_shared>> -> memref<128x128xf32, #tpu.memory_space<vmem_shared>>
      %dma_wait3A_130 = arith.constant 0 : i32
      %dma_wait3A_131 = tpu.memref_slice %arg13[%add3A_73, %dma_wait3A_130] : memref<10240x128xf32, #tpu.memory_space<vmem_shared>> -> memref<128x128xf32, #tpu.memory_space<vmem_shared>>
      tpu.wait_dma2 semaphore(%run_scoped3A : memref<!tpu.dma_semaphore, #tpu.memory_space<semaphore_mem>>) src(%arg11 : memref<128x128xf32, #tpu.memory_space<vmem>>) dst(%dma_wait3A_131 : memref<128x128xf32, #tpu.memory_space<vmem_shared>>)
      tpu.yield
    }) : () -> ()
    %dma_wait3A = arith.constant 0 : i32
    %dma_wait3A_74 = arith.constant 0 : i32
    %dma_wait3A_75 = tpu.memref_slice %arg3[%dma_wait3A, %dma_wait3A_74] : memref<2x320000xi32, #tpu.memory_space<hbm>> -> memref<1x128xi32, #tpu.memory_space<hbm>>
    %dma_wait3A_76 = tpu.memref_squeeze %dma_wait3A_75 : memref<1x128xi32, #tpu.memory_space<hbm>> -> memref<128xi32, #tpu.memory_space<hbm>>
    %dma_wait3A_77 = arith.constant 0 : i32
    %dma_wait3A_78 = tpu.memref_slice %arg3[%dma_wait3A, %dma_wait3A_77] : memref<2x320000xi32, #tpu.memory_space<hbm>> -> memref<1x128xi32, #tpu.memory_space<hbm>>
    %dma_wait3A_79 = tpu.memref_squeeze %dma_wait3A_78 : memref<1x128xi32, #tpu.memory_space<hbm>> -> memref<128xi32, #tpu.memory_space<hbm>>
    tpu.wait_dma2 semaphore(%arg14 : memref<!tpu.dma_semaphore, #tpu.memory_space<semaphore_mem>>) src(%dma_wait3A_79 : memref<128xi32, #tpu.memory_space<hbm>>) dst(%arg5 : memref<128xi32, #tpu.memory_space<vmem>>)
    %dma_wait3A_80 = arith.constant 1 : i32
    %dma_wait3A_81 = arith.constant 0 : i32
    %dma_wait3A_82 = tpu.memref_slice %arg3[%dma_wait3A_80, %dma_wait3A_81] : memref<2x320000xi32, #tpu.memory_space<hbm>> -> memref<1x128xi32, #tpu.memory_space<hbm>>
    %dma_wait3A_83 = tpu.memref_squeeze %dma_wait3A_82 : memref<1x128xi32, #tpu.memory_space<hbm>> -> memref<128xi32, #tpu.memory_space<hbm>>
    %dma_wait3A_84 = arith.constant 0 : i32
    %dma_wait3A_85 = tpu.memref_slice %arg3[%dma_wait3A_80, %dma_wait3A_84] : memref<2x320000xi32, #tpu.memory_space<hbm>> -> memref<1x128xi32, #tpu.memory_space<hbm>>
    %dma_wait3A_86 = tpu.memref_squeeze %dma_wait3A_85 : memref<1x128xi32, #tpu.memory_space<hbm>> -> memref<128xi32, #tpu.memory_space<hbm>>
    tpu.wait_dma2 semaphore(%arg14 : memref<!tpu.dma_semaphore, #tpu.memory_space<semaphore_mem>>) src(%dma_wait3A_86 : memref<128xi32, #tpu.memory_space<hbm>>) dst(%arg7 : memref<128xi32, #tpu.memory_space<vmem>>)
    %dma_start3A_87 = arith.constant 0 : i32
    %dma_start3A_88 = arith.constant 0 : i32
    %dma_start3A_89 = tpu.memref_slice %arg2[%dma_start3A_87, %dma_start3A_88] : memref<10000x128xf32, #tpu.memory_space<hbm>> -> memref<10000x128xf32, #tpu.memory_space<hbm>>
    tpu.enqueue_indirect_dma source(%dma_start3A_89 : memref<10000x128xf32, #tpu.memory_space<hbm>>) target(%arg11 : memref<128x128xf32, #tpu.memory_space<vmem>>) offsets(%arg5 : memref<128xi32, #tpu.memory_space<vmem>>) semaphore(%arg16 : memref<!tpu.dma_semaphore, #tpu.memory_space<semaphore_mem>>)
    %barrier3A = arith.constant 0 : index
    tpu.barrier barrier_id(%barrier3A)
    %while3A = arith.constant 0 : i32
    %while3A_90 = arith.constant 0 : i32
    %while3A_91 = arith.subi %select_n3A_13, %while3A_90 : i32
    %while3A_92 = arith.addi %while3A_90, %while3A_91 : i32
    %while3A_93 = arith.constant 1 : i32
    %while3A_94 = arith.divsi %while3A_91, %while3A_93 : i32
    %while3A_95 = arith.muli %while3A_94, %while3A_93 : i32
    %while3A_96 = arith.addi %while3A_90, %while3A_95 : i32
    %while3A_97 = arith.constant 1 : i32
    scf.for %while3A_124 = %while3A_90 to %while3A_96 step %while3A_97  : i32 {
      %rem3A = arith.constant 2 : i32
      %rem3A_125 = arith.remsi %while3A_124, %rem3A : i32
      %sub3A = arith.constant 1 : i32
      %sub3A_126 = arith.subi %sub3A, %rem3A_125 : i32
      %add3A_127 = arith.constant 1 : i32
      %add3A_128 = arith.addi %while3A_124, %add3A_127 : i32
      %sub3A_129 = arith.constant 1 : i32
      %sub3A_130 = arith.subi %select_n3A_13, %sub3A_129 : i32
      %min3A_131 = arith.minsi %add3A_128, %sub3A_130 : i32
      %eq3A_132 = arith.constant 0 : i32
      %eq3A_133 = arith.cmpi eq, %sub3A_126, %eq3A_132 : i32
      %convert_element_type3A = arith.extui %eq3A_133 : i1 to i32
      %cond3A = arith.constant 0 : i32
      %cond3A_134 = arith.cmpi ne, %convert_element_type3A, %cond3A : i32
      scf.if %cond3A_134 {
        %dma_wait3A_150 = arith.constant 0 : i32
        %dma_wait3A_151 = arith.constant 0 : i32
        %dma_wait3A_152 = tpu.memref_slice %arg13[%dma_wait3A_150, %dma_wait3A_151] : memref<10240x128xf32, #tpu.memory_space<vmem_shared>> -> memref<10240x128xf32, #tpu.memory_space<vmem_shared>>
        tpu.wait_indirect_dma semaphore(%arg18 : memref<!tpu.dma_semaphore, #tpu.memory_space<semaphore_mem>>) src(%arg11 : memref<128x128xf32, #tpu.memory_space<vmem>>) dst(%dma_wait3A_152 : memref<10240x128xf32, #tpu.memory_space<vmem_shared>>)
        %dma_wait3A_153 = arith.constant 0 : i32
        %dma_wait3A_154 = arith.constant 0 : i32
        %dma_wait3A_155 = tpu.memref_slice %arg3[%dma_wait3A_153, %dma_wait3A_154] : memref<2x320000xi32, #tpu.memory_space<hbm>> -> memref<1x128xi32, #tpu.memory_space<hbm>>
        %dma_wait3A_156 = tpu.memref_squeeze %dma_wait3A_155 : memref<1x128xi32, #tpu.memory_space<hbm>> -> memref<128xi32, #tpu.memory_space<hbm>>
        %dma_wait3A_157 = arith.constant 0 : i32
        %dma_wait3A_158 = tpu.memref_slice %arg3[%dma_wait3A_153, %dma_wait3A_157] : memref<2x320000xi32, #tpu.memory_space<hbm>> -> memref<1x128xi32, #tpu.memory_space<hbm>>
        %dma_wait3A_159 = tpu.memref_squeeze %dma_wait3A_158 : memref<1x128xi32, #tpu.memory_space<hbm>> -> memref<128xi32, #tpu.memory_space<hbm>>
        tpu.wait_dma2 semaphore(%arg14 : memref<!tpu.dma_semaphore, #tpu.memory_space<semaphore_mem>>) src(%dma_wait3A_159 : memref<128xi32, #tpu.memory_space<hbm>>) dst(%arg5 : memref<128xi32, #tpu.memory_space<vmem>>)
        %dma_wait3A_160 = arith.constant 1 : i32
        %dma_wait3A_161 = arith.constant 0 : i32
        %dma_wait3A_162 = tpu.memref_slice %arg3[%dma_wait3A_160, %dma_wait3A_161] : memref<2x320000xi32, #tpu.memory_space<hbm>> -> memref<1x128xi32, #tpu.memory_space<hbm>>
        %dma_wait3A_163 = tpu.memref_squeeze %dma_wait3A_162 : memref<1x128xi32, #tpu.memory_space<hbm>> -> memref<128xi32, #tpu.memory_space<hbm>>
        %dma_wait3A_164 = arith.constant 0 : i32
        %dma_wait3A_165 = tpu.memref_slice %arg3[%dma_wait3A_160, %dma_wait3A_164] : memref<2x320000xi32, #tpu.memory_space<hbm>> -> memref<1x128xi32, #tpu.memory_space<hbm>>
        %dma_wait3A_166 = tpu.memref_squeeze %dma_wait3A_165 : memref<1x128xi32, #tpu.memory_space<hbm>> -> memref<128xi32, #tpu.memory_space<hbm>>
        tpu.wait_dma2 semaphore(%arg14 : memref<!tpu.dma_semaphore, #tpu.memory_space<semaphore_mem>>) src(%dma_wait3A_166 : memref<128xi32, #tpu.memory_space<hbm>>) dst(%arg7 : memref<128xi32, #tpu.memory_space<vmem>>)
        %dma_start3A_167 = arith.constant 0 : i32
        %dma_start3A_168 = arith.constant 0 : i32
        %dma_start3A_169 = tpu.memref_slice %arg2[%dma_start3A_167, %dma_start3A_168] : memref<10000x128xf32, #tpu.memory_space<hbm>> -> memref<10000x128xf32, #tpu.memory_space<hbm>>
        tpu.enqueue_indirect_dma source(%dma_start3A_169 : memref<10000x128xf32, #tpu.memory_space<hbm>>) target(%arg11 : memref<128x128xf32, #tpu.memory_space<vmem>>) offsets(%arg5 : memref<128xi32, #tpu.memory_space<vmem>>) semaphore(%arg16 : memref<!tpu.dma_semaphore, #tpu.memory_space<semaphore_mem>>)
      } else {
      }
      %eq3A_135 = arith.constant 1 : i32
      %eq3A_136 = arith.cmpi eq, %sub3A_126, %eq3A_135 : i32
      %convert_element_type3A_137 = arith.extui %eq3A_136 : i1 to i32
      %cond3A_138 = arith.constant 0 : i32
      %cond3A_139 = arith.cmpi ne, %convert_element_type3A_137, %cond3A_138 : i32
      scf.if %cond3A_139 {
        %gt3A = arith.constant 0 : i32
        %gt3A_150 = arith.cmpi sgt, %while3A_124, %gt3A : i32
        %convert_element_type3A_151 = arith.extui %gt3A_150 : i1 to i32
        %cond3A_152 = arith.constant 0 : i32
        %cond3A_153 = arith.cmpi ne, %convert_element_type3A_151, %cond3A_152 : i32
        scf.if %cond3A_153 {
          %dma_wait3A_171 = arith.constant 0 : i32
          %dma_wait3A_172 = arith.constant 0 : i32
          %dma_wait3A_173 = tpu.memref_slice %arg13[%dma_wait3A_171, %dma_wait3A_172] : memref<10240x128xf32, #tpu.memory_space<vmem_shared>> -> memref<10240x128xf32, #tpu.memory_space<vmem_shared>>
          tpu.wait_indirect_dma semaphore(%arg19 : memref<!tpu.dma_semaphore, #tpu.memory_space<semaphore_mem>>) src(%arg12 : memref<128x128xf32, #tpu.memory_space<vmem>>) dst(%dma_wait3A_173 : memref<10240x128xf32, #tpu.memory_space<vmem_shared>>)
        } else {
        }
        %dma_wait3A_154 = arith.constant 0 : i32
        %dma_wait3A_155 = arith.constant 0 : i32
        %dma_wait3A_156 = tpu.memref_slice %arg3[%dma_wait3A_154, %dma_wait3A_155] : memref<2x320000xi32, #tpu.memory_space<hbm>> -> memref<1x128xi32, #tpu.memory_space<hbm>>
        %dma_wait3A_157 = tpu.memref_squeeze %dma_wait3A_156 : memref<1x128xi32, #tpu.memory_space<hbm>> -> memref<128xi32, #tpu.memory_space<hbm>>
        %dma_wait3A_158 = arith.constant 0 : i32
        %dma_wait3A_159 = tpu.memref_slice %arg3[%dma_wait3A_154, %dma_wait3A_158] : memref<2x320000xi32, #tpu.memory_space<hbm>> -> memref<1x128xi32, #tpu.memory_space<hbm>>
        %dma_wait3A_160 = tpu.memref_squeeze %dma_wait3A_159 : memref<1x128xi32, #tpu.memory_space<hbm>> -> memref<128xi32, #tpu.memory_space<hbm>>
        tpu.wait_dma2 semaphore(%arg15 : memref<!tpu.dma_semaphore, #tpu.memory_space<semaphore_mem>>) src(%dma_wait3A_160 : memref<128xi32, #tpu.memory_space<hbm>>) dst(%arg6 : memref<128xi32, #tpu.memory_space<vmem>>)
        %dma_wait3A_161 = arith.constant 1 : i32
        %dma_wait3A_162 = arith.constant 0 : i32
        %dma_wait3A_163 = tpu.memref_slice %arg3[%dma_wait3A_161, %dma_wait3A_162] : memref<2x320000xi32, #tpu.memory_space<hbm>> -> memref<1x128xi32, #tpu.memory_space<hbm>>
        %dma_wait3A_164 = tpu.memref_squeeze %dma_wait3A_163 : memref<1x128xi32, #tpu.memory_space<hbm>> -> memref<128xi32, #tpu.memory_space<hbm>>
        %dma_wait3A_165 = arith.constant 0 : i32
        %dma_wait3A_166 = tpu.memref_slice %arg3[%dma_wait3A_161, %dma_wait3A_165] : memref<2x320000xi32, #tpu.memory_space<hbm>> -> memref<1x128xi32, #tpu.memory_space<hbm>>
        %dma_wait3A_167 = tpu.memref_squeeze %dma_wait3A_166 : memref<1x128xi32, #tpu.memory_space<hbm>> -> memref<128xi32, #tpu.memory_space<hbm>>
        tpu.wait_dma2 semaphore(%arg15 : memref<!tpu.dma_semaphore, #tpu.memory_space<semaphore_mem>>) src(%dma_wait3A_167 : memref<128xi32, #tpu.memory_space<hbm>>) dst(%arg8 : memref<128xi32, #tpu.memory_space<vmem>>)
        %dma_start3A_168 = arith.constant 0 : i32
        %dma_start3A_169 = arith.constant 0 : i32
        %dma_start3A_170 = tpu.memref_slice %arg2[%dma_start3A_168, %dma_start3A_169] : memref<10000x128xf32, #tpu.memory_space<hbm>> -> memref<10000x128xf32, #tpu.memory_space<hbm>>
        tpu.enqueue_indirect_dma source(%dma_start3A_170 : memref<10000x128xf32, #tpu.memory_space<hbm>>) target(%arg12 : memref<128x128xf32, #tpu.memory_space<vmem>>) offsets(%arg6 : memref<128xi32, #tpu.memory_space<vmem>>) semaphore(%arg17 : memref<!tpu.dma_semaphore, #tpu.memory_space<semaphore_mem>>)
      } else {
      }
      %eq3A_140 = arith.constant 0 : i32
      %eq3A_141 = arith.cmpi eq, %rem3A_125, %eq3A_140 : i32
      %convert_element_type3A_142 = arith.extui %eq3A_141 : i1 to i32
      %cond3A_143 = arith.constant 0 : i32
      %cond3A_144 = arith.cmpi ne, %convert_element_type3A_142, %cond3A_143 : i32
      scf.if %cond3A_144 {
        %dma_wait3A_150 = arith.constant 0 : i32
        %dma_wait3A_151 = arith.constant 0 : i32
        %dma_wait3A_152 = tpu.memref_slice %arg2[%dma_wait3A_150, %dma_wait3A_151] : memref<10000x128xf32, #tpu.memory_space<hbm>> -> memref<10000x128xf32, #tpu.memory_space<hbm>>
        tpu.wait_indirect_dma semaphore(%arg16 : memref<!tpu.dma_semaphore, #tpu.memory_space<semaphore_mem>>) src(%dma_wait3A_152 : memref<10000x128xf32, #tpu.memory_space<hbm>>) dst(%arg11 : memref<128x128xf32, #tpu.memory_space<vmem>>)
        %get3A = arith.constant 0 : index
        %get3A_153 = tpu.vector_load %arg7[%get3A] {strides = array<i32>} : memref<128xi32, #tpu.memory_space<vmem>>, vector<16xi32>,
        %get3A_154 = vector.shape_cast %get3A_153 : vector<16xi32> to vector<16xi32>
        %swap3A = arith.constant 0 : index
        %swap3A_155 = tpu.vector_load %arg9[%swap3A] {strides = array<i32>} : memref<128xi32, #tpu.memory_space<vmem>>, vector<16xi32>,
        %swap3A_156 = vector.shape_cast %swap3A_155 : vector<16xi32> to vector<16xi32>
        %swap3A_157 = vector.shape_cast %get3A_154 : vector<16xi32> to vector<16xi32>
        tpu.vector_store %arg9[%swap3A], %swap3A_157 {strides = array<i32>} : memref<128xi32, #tpu.memory_space<vmem>>, vector<16xi32>,
        %get3A_158 = arith.constant 16 : index
        %get3A_159 = tpu.vector_load %arg7[%get3A_158] {strides = array<i32>} : memref<128xi32, #tpu.memory_space<vmem>>, vector<16xi32>,
        %get3A_160 = vector.shape_cast %get3A_159 : vector<16xi32> to vector<16xi32>
        %swap3A_161 = arith.constant 16 : index
        %swap3A_162 = tpu.vector_load %arg9[%swap3A_161] {strides = array<i32>} : memref<128xi32, #tpu.memory_space<vmem>>, vector<16xi32>,
        %swap3A_163 = vector.shape_cast %swap3A_162 : vector<16xi32> to vector<16xi32>
        %swap3A_164 = vector.shape_cast %get3A_160 : vector<16xi32> to vector<16xi32>
        tpu.vector_store %arg9[%swap3A_161], %swap3A_164 {strides = array<i32>} : memref<128xi32, #tpu.memory_space<vmem>>, vector<16xi32>,
        %get3A_165 = arith.constant 32 : index
        %get3A_166 = tpu.vector_load %arg7[%get3A_165] {strides = array<i32>} : memref<128xi32, #tpu.memory_space<vmem>>, vector<16xi32>,
        %get3A_167 = vector.shape_cast %get3A_166 : vector<16xi32> to vector<16xi32>
        %swap3A_168 = arith.constant 32 : index
        %swap3A_169 = tpu.vector_load %arg9[%swap3A_168] {strides = array<i32>} : memref<128xi32, #tpu.memory_space<vmem>>, vector<16xi32>,
        %swap3A_170 = vector.shape_cast %swap3A_169 : vector<16xi32> to vector<16xi32>
        %swap3A_171 = vector.shape_cast %get3A_167 : vector<16xi32> to vector<16xi32>
        tpu.vector_store %arg9[%swap3A_168], %swap3A_171 {strides = array<i32>} : memref<128xi32, #tpu.memory_space<vmem>>, vector<16xi32>,
        %get3A_172 = arith.constant 48 : index
        %get3A_173 = tpu.vector_load %arg7[%get3A_172] {strides = array<i32>} : memref<128xi32, #tpu.memory_space<vmem>>, vector<16xi32>,
        %get3A_174 = vector.shape_cast %get3A_173 : vector<16xi32> to vector<16xi32>
        %swap3A_175 = arith.constant 48 : index
        %swap3A_176 = tpu.vector_load %arg9[%swap3A_175] {strides = array<i32>} : memref<128xi32, #tpu.memory_space<vmem>>, vector<16xi32>,
        %swap3A_177 = vector.shape_cast %swap3A_176 : vector<16xi32> to vector<16xi32>
        %swap3A_178 = vector.shape_cast %get3A_174 : vector<16xi32> to vector<16xi32>
        tpu.vector_store %arg9[%swap3A_175], %swap3A_178 {strides = array<i32>} : memref<128xi32, #tpu.memory_space<vmem>>, vector<16xi32>,
        %get3A_179 = arith.constant 64 : index
        %get3A_180 = tpu.vector_load %arg7[%get3A_179] {strides = array<i32>} : memref<128xi32, #tpu.memory_space<vmem>>, vector<16xi32>,
        %get3A_181 = vector.shape_cast %get3A_180 : vector<16xi32> to vector<16xi32>
        %swap3A_182 = arith.constant 64 : index
        %swap3A_183 = tpu.vector_load %arg9[%swap3A_182] {strides = array<i32>} : memref<128xi32, #tpu.memory_space<vmem>>, vector<16xi32>,
        %swap3A_184 = vector.shape_cast %swap3A_183 : vector<16xi32> to vector<16xi32>
        %swap3A_185 = vector.shape_cast %get3A_181 : vector<16xi32> to vector<16xi32>
        tpu.vector_store %arg9[%swap3A_182], %swap3A_185 {strides = array<i32>} : memref<128xi32, #tpu.memory_space<vmem>>, vector<16xi32>,
        %get3A_186 = arith.constant 80 : index
        %get3A_187 = tpu.vector_load %arg7[%get3A_186] {strides = array<i32>} : memref<128xi32, #tpu.memory_space<vmem>>, vector<16xi32>,
        %get3A_188 = vector.shape_cast %get3A_187 : vector<16xi32> to vector<16xi32>
        %swap3A_189 = arith.constant 80 : index
        %swap3A_190 = tpu.vector_load %arg9[%swap3A_189] {strides = array<i32>} : memref<128xi32, #tpu.memory_space<vmem>>, vector<16xi32>,
        %swap3A_191 = vector.shape_cast %swap3A_190 : vector<16xi32> to vector<16xi32>
        %swap3A_192 = vector.shape_cast %get3A_188 : vector<16xi32> to vector<16xi32>
        tpu.vector_store %arg9[%swap3A_189], %swap3A_192 {strides = array<i32>} : memref<128xi32, #tpu.memory_space<vmem>>, vector<16xi32>,
        %get3A_193 = arith.constant 96 : index
        %get3A_194 = tpu.vector_load %arg7[%get3A_193] {strides = array<i32>} : memref<128xi32, #tpu.memory_space<vmem>>, vector<16xi32>,
        %get3A_195 = vector.shape_cast %get3A_194 : vector<16xi32> to vector<16xi32>
        %swap3A_196 = arith.constant 96 : index
        %swap3A_197 = tpu.vector_load %arg9[%swap3A_196] {strides = array<i32>} : memref<128xi32, #tpu.memory_space<vmem>>, vector<16xi32>,
        %swap3A_198 = vector.shape_cast %swap3A_197 : vector<16xi32> to vector<16xi32>
        %swap3A_199 = vector.shape_cast %get3A_195 : vector<16xi32> to vector<16xi32>
        tpu.vector_store %arg9[%swap3A_196], %swap3A_199 {strides = array<i32>} : memref<128xi32, #tpu.memory_space<vmem>>, vector<16xi32>,
        %get3A_200 = arith.constant 112 : index
        %get3A_201 = tpu.vector_load %arg7[%get3A_200] {strides = array<i32>} : memref<128xi32, #tpu.memory_space<vmem>>, vector<16xi32>,
        %get3A_202 = vector.shape_cast %get3A_201 : vector<16xi32> to vector<16xi32>
        %swap3A_203 = arith.constant 112 : index
        %swap3A_204 = tpu.vector_load %arg9[%swap3A_203] {strides = array<i32>} : memref<128xi32, #tpu.memory_space<vmem>>, vector<16xi32>,
        %swap3A_205 = vector.shape_cast %swap3A_204 : vector<16xi32> to vector<16xi32>
        %swap3A_206 = vector.shape_cast %get3A_202 : vector<16xi32> to vector<16xi32>
        tpu.vector_store %arg9[%swap3A_203], %swap3A_206 {strides = array<i32>} : memref<128xi32, #tpu.memory_space<vmem>>, vector<16xi32>,
        %dma_start3A_207 = arith.constant 0 : i32
        %dma_start3A_208 = arith.constant 0 : i32
        %dma_start3A_209 = tpu.memref_slice %arg13[%dma_start3A_207, %dma_start3A_208] : memref<10240x128xf32, #tpu.memory_space<vmem_shared>> -> memref<10240x128xf32, #tpu.memory_space<vmem_shared>>
        tpu.enqueue_indirect_dma source(%arg11 : memref<128x128xf32, #tpu.memory_space<vmem>>) target(%dma_start3A_209 : memref<10240x128xf32, #tpu.memory_space<vmem_shared>>) offsets(%arg9 : memref<128xi32, #tpu.memory_space<vmem>>) semaphore(%arg18 : memref<!tpu.dma_semaphore, #tpu.memory_space<semaphore_mem>>) {add = true}
        %add3A_210 = arith.constant 2 : i32
        %add3A_211 = arith.addi %while3A_124, %add3A_210 : i32
        %sub3A_212 = arith.constant 1 : i32
        %sub3A_213 = arith.subi %select_n3A_13, %sub3A_212 : i32
        %min3A_214 = arith.minsi %add3A_211, %sub3A_213 : i32
        %add3A_215 = arith.addi %select_n3A, %min3A_214 : i32
        %mul3A_216 = arith.constant 128 : i32
        %mul3A_217 = arith.muli %add3A_215, %mul3A_216 : i32
        %dma_start3A_218 = arith.constant 0 : i32
        %dma_start3A_219 = tpu.memref_slice %arg3[%dma_start3A_218, %mul3A_217] : memref<2x320000xi32, #tpu.memory_space<hbm>> -> memref<1x128xi32, #tpu.memory_space<hbm>>
        %dma_start3A_220 = tpu.memref_squeeze %dma_start3A_219 : memref<1x128xi32, #tpu.memory_space<hbm>> -> memref<128xi32, #tpu.memory_space<hbm>>
        %dma_start3A_221 = tpu.memref_slice %arg3[%dma_start3A_218, %mul3A_217] : memref<2x320000xi32, #tpu.memory_space<hbm>> -> memref<1x128xi32, #tpu.memory_space<hbm>>
        %dma_start3A_222 = tpu.memref_squeeze %dma_start3A_221 : memref<1x128xi32, #tpu.memory_space<hbm>> -> memref<128xi32, #tpu.memory_space<hbm>>
        tpu.enqueue_dma source(%dma_start3A_222 : memref<128xi32, #tpu.memory_space<hbm>>) target(%arg5 : memref<128xi32, #tpu.memory_space<vmem>>) target_semaphore(%arg14 : memref<!tpu.dma_semaphore, #tpu.memory_space<semaphore_mem>>)
        %add3A_223 = arith.addi %select_n3A, %min3A_214 : i32
        %mul3A_224 = arith.constant 128 : i32
        %mul3A_225 = arith.muli %add3A_223, %mul3A_224 : i32
        %dma_start3A_226 = arith.constant 1 : i32
        %dma_start3A_227 = tpu.memref_slice %arg3[%dma_start3A_226, %mul3A_225] : memref<2x320000xi32, #tpu.memory_space<hbm>> -> memref<1x128xi32, #tpu.memory_space<hbm>>
        %dma_start3A_228 = tpu.memref_squeeze %dma_start3A_227 : memref<1x128xi32, #tpu.memory_space<hbm>> -> memref<128xi32, #tpu.memory_space<hbm>>
        %dma_start3A_229 = tpu.memref_slice %arg3[%dma_start3A_226, %mul3A_225] : memref<2x320000xi32, #tpu.memory_space<hbm>> -> memref<1x128xi32, #tpu.memory_space<hbm>>
        %dma_start3A_230 = tpu.memref_squeeze %dma_start3A_229 : memref<1x128xi32, #tpu.memory_space<hbm>> -> memref<128xi32, #tpu.memory_space<hbm>>
        tpu.enqueue_dma source(%dma_start3A_230 : memref<128xi32, #tpu.memory_space<hbm>>) target(%arg7 : memref<128xi32, #tpu.memory_space<vmem>>) target_semaphore(%arg14 : memref<!tpu.dma_semaphore, #tpu.memory_space<semaphore_mem>>)
      } else {
      }
      %eq3A_145 = arith.constant 1 : i32
      %eq3A_146 = arith.cmpi eq, %rem3A_125, %eq3A_145 : i32
      %convert_element_type3A_147 = arith.extui %eq3A_146 : i1 to i32
      %cond3A_148 = arith.constant 0 : i32
      %cond3A_149 = arith.cmpi ne, %convert_element_type3A_147, %cond3A_148 : i32
      scf.if %cond3A_149 {
        %dma_wait3A_150 = arith.constant 0 : i32
        %dma_wait3A_151 = arith.constant 0 : i32
        %dma_wait3A_152 = tpu.memref_slice %arg2[%dma_wait3A_150, %dma_wait3A_151] : memref<10000x128xf32, #tpu.memory_space<hbm>> -> memref<10000x128xf32, #tpu.memory_space<hbm>>
        tpu.wait_indirect_dma semaphore(%arg17 : memref<!tpu.dma_semaphore, #tpu.memory_space<semaphore_mem>>) src(%dma_wait3A_152 : memref<10000x128xf32, #tpu.memory_space<hbm>>) dst(%arg12 : memref<128x128xf32, #tpu.memory_space<vmem>>)
        %get3A = arith.constant 0 : index
        %get3A_153 = tpu.vector_load %arg8[%get3A] {strides = array<i32>} : memref<128xi32, #tpu.memory_space<vmem>>, vector<16xi32>,
        %get3A_154 = vector.shape_cast %get3A_153 : vector<16xi32> to vector<16xi32>
        %swap3A = arith.constant 0 : index
        %swap3A_155 = tpu.vector_load %arg10[%swap3A] {strides = array<i32>} : memref<128xi32, #tpu.memory_space<vmem>>, vector<16xi32>,
        %swap3A_156 = vector.shape_cast %swap3A_155 : vector<16xi32> to vector<16xi32>
        %swap3A_157 = vector.shape_cast %get3A_154 : vector<16xi32> to vector<16xi32>
        tpu.vector_store %arg10[%swap3A], %swap3A_157 {strides = array<i32>} : memref<128xi32, #tpu.memory_space<vmem>>, vector<16xi32>,
        %get3A_158 = arith.constant 16 : index
        %get3A_159 = tpu.vector_load %arg8[%get3A_158] {strides = array<i32>} : memref<128xi32, #tpu.memory_space<vmem>>, vector<16xi32>,
        %get3A_160 = vector.shape_cast %get3A_159 : vector<16xi32> to vector<16xi32>
        %swap3A_161 = arith.constant 16 : index
        %swap3A_162 = tpu.vector_load %arg10[%swap3A_161] {strides = array<i32>} : memref<128xi32, #tpu.memory_space<vmem>>, vector<16xi32>,
        %swap3A_163 = vector.shape_cast %swap3A_162 : vector<16xi32> to vector<16xi32>
        %swap3A_164 = vector.shape_cast %get3A_160 : vector<16xi32> to vector<16xi32>
        tpu.vector_store %arg10[%swap3A_161], %swap3A_164 {strides = array<i32>} : memref<128xi32, #tpu.memory_space<vmem>>, vector<16xi32>,
        %get3A_165 = arith.constant 32 : index
        %get3A_166 = tpu.vector_load %arg8[%get3A_165] {strides = array<i32>} : memref<128xi32, #tpu.memory_space<vmem>>, vector<16xi32>,
        %get3A_167 = vector.shape_cast %get3A_166 : vector<16xi32> to vector<16xi32>
        %swap3A_168 = arith.constant 32 : index
        %swap3A_169 = tpu.vector_load %arg10[%swap3A_168] {strides = array<i32>} : memref<128xi32, #tpu.memory_space<vmem>>, vector<16xi32>,
        %swap3A_170 = vector.shape_cast %swap3A_169 : vector<16xi32> to vector<16xi32>
        %swap3A_171 = vector.shape_cast %get3A_167 : vector<16xi32> to vector<16xi32>
        tpu.vector_store %arg10[%swap3A_168], %swap3A_171 {strides = array<i32>} : memref<128xi32, #tpu.memory_space<vmem>>, vector<16xi32>,
        %get3A_172 = arith.constant 48 : index
        %get3A_173 = tpu.vector_load %arg8[%get3A_172] {strides = array<i32>} : memref<128xi32, #tpu.memory_space<vmem>>, vector<16xi32>,
        %get3A_174 = vector.shape_cast %get3A_173 : vector<16xi32> to vector<16xi32>
        %swap3A_175 = arith.constant 48 : index
        %swap3A_176 = tpu.vector_load %arg10[%swap3A_175] {strides = array<i32>} : memref<128xi32, #tpu.memory_space<vmem>>, vector<16xi32>,
        %swap3A_177 = vector.shape_cast %swap3A_176 : vector<16xi32> to vector<16xi32>
        %swap3A_178 = vector.shape_cast %get3A_174 : vector<16xi32> to vector<16xi32>
        tpu.vector_store %arg10[%swap3A_175], %swap3A_178 {strides = array<i32>} : memref<128xi32, #tpu.memory_space<vmem>>, vector<16xi32>,
        %get3A_179 = arith.constant 64 : index
        %get3A_180 = tpu.vector_load %arg8[%get3A_179] {strides = array<i32>} : memref<128xi32, #tpu.memory_space<vmem>>, vector<16xi32>,
        %get3A_181 = vector.shape_cast %get3A_180 : vector<16xi32> to vector<16xi32>
        %swap3A_182 = arith.constant 64 : index
        %swap3A_183 = tpu.vector_load %arg10[%swap3A_182] {strides = array<i32>} : memref<128xi32, #tpu.memory_space<vmem>>, vector<16xi32>,
        %swap3A_184 = vector.shape_cast %swap3A_183 : vector<16xi32> to vector<16xi32>
        %swap3A_185 = vector.shape_cast %get3A_181 : vector<16xi32> to vector<16xi32>
        tpu.vector_store %arg10[%swap3A_182], %swap3A_185 {strides = array<i32>} : memref<128xi32, #tpu.memory_space<vmem>>, vector<16xi32>,
        %get3A_186 = arith.constant 80 : index
        %get3A_187 = tpu.vector_load %arg8[%get3A_186] {strides = array<i32>} : memref<128xi32, #tpu.memory_space<vmem>>, vector<16xi32>,
        %get3A_188 = vector.shape_cast %get3A_187 : vector<16xi32> to vector<16xi32>
        %swap3A_189 = arith.constant 80 : index
        %swap3A_190 = tpu.vector_load %arg10[%swap3A_189] {strides = array<i32>} : memref<128xi32, #tpu.memory_space<vmem>>, vector<16xi32>,
        %swap3A_191 = vector.shape_cast %swap3A_190 : vector<16xi32> to vector<16xi32>
        %swap3A_192 = vector.shape_cast %get3A_188 : vector<16xi32> to vector<16xi32>
        tpu.vector_store %arg10[%swap3A_189], %swap3A_192 {strides = array<i32>} : memref<128xi32, #tpu.memory_space<vmem>>, vector<16xi32>,
        %get3A_193 = arith.constant 96 : index
        %get3A_194 = tpu.vector_load %arg8[%get3A_193] {strides = array<i32>} : memref<128xi32, #tpu.memory_space<vmem>>, vector<16xi32>,
        %get3A_195 = vector.shape_cast %get3A_194 : vector<16xi32> to vector<16xi32>
        %swap3A_196 = arith.constant 96 : index
        %swap3A_197 = tpu.vector_load %arg10[%swap3A_196] {strides = array<i32>} : memref<128xi32, #tpu.memory_space<vmem>>, vector<16xi32>,
        %swap3A_198 = vector.shape_cast %swap3A_197 : vector<16xi32> to vector<16xi32>
        %swap3A_199 = vector.shape_cast %get3A_195 : vector<16xi32> to vector<16xi32>
        tpu.vector_store %arg10[%swap3A_196], %swap3A_199 {strides = array<i32>} : memref<128xi32, #tpu.memory_space<vmem>>, vector<16xi32>,
        %get3A_200 = arith.constant 112 : index
        %get3A_201 = tpu.vector_load %arg8[%get3A_200] {strides = array<i32>} : memref<128xi32, #tpu.memory_space<vmem>>, vector<16xi32>,
        %get3A_202 = vector.shape_cast %get3A_201 : vector<16xi32> to vector<16xi32>
        %swap3A_203 = arith.constant 112 : index
        %swap3A_204 = tpu.vector_load %arg10[%swap3A_203] {strides = array<i32>} : memref<128xi32, #tpu.memory_space<vmem>>, vector<16xi32>,
        %swap3A_205 = vector.shape_cast %swap3A_204 : vector<16xi32> to vector<16xi32>
        %swap3A_206 = vector.shape_cast %get3A_202 : vector<16xi32> to vector<16xi32>
        tpu.vector_store %arg10[%swap3A_203], %swap3A_206 {strides = array<i32>} : memref<128xi32, #tpu.memory_space<vmem>>, vector<16xi32>,
        %dma_start3A_207 = arith.constant 0 : i32
        %dma_start3A_208 = arith.constant 0 : i32
        %dma_start3A_209 = tpu.memref_slice %arg13[%dma_start3A_207, %dma_start3A_208] : memref<10240x128xf32, #tpu.memory_space<vmem_shared>> -> memref<10240x128xf32, #tpu.memory_space<vmem_shared>>
        tpu.enqueue_indirect_dma source(%arg12 : memref<128x128xf32, #tpu.memory_space<vmem>>) target(%dma_start3A_209 : memref<10240x128xf32, #tpu.memory_space<vmem_shared>>) offsets(%arg10 : memref<128xi32, #tpu.memory_space<vmem>>) semaphore(%arg19 : memref<!tpu.dma_semaphore, #tpu.memory_space<semaphore_mem>>) {add = true}
        %add3A_210 = arith.constant 2 : i32
        %add3A_211 = arith.addi %while3A_124, %add3A_210 : i32
        %sub3A_212 = arith.constant 1 : i32
        %sub3A_213 = arith.subi %select_n3A_13, %sub3A_212 : i32
        %min3A_214 = arith.minsi %add3A_211, %sub3A_213 : i32
        %add3A_215 = arith.addi %select_n3A, %min3A_214 : i32
        %mul3A_216 = arith.constant 128 : i32
        %mul3A_217 = arith.muli %add3A_215, %mul3A_216 : i32
        %dma_start3A_218 = arith.constant 0 : i32
        %dma_start3A_219 = tpu.memref_slice %arg3[%dma_start3A_218, %mul3A_217] : memref<2x320000xi32, #tpu.memory_space<hbm>> -> memref<1x128xi32, #tpu.memory_space<hbm>>
        %dma_start3A_220 = tpu.memref_squeeze %dma_start3A_219 : memref<1x128xi32, #tpu.memory_space<hbm>> -> memref<128xi32, #tpu.memory_space<hbm>>
        %dma_start3A_221 = tpu.memref_slice %arg3[%dma_start3A_218, %mul3A_217] : memref<2x320000xi32, #tpu.memory_space<hbm>> -> memref<1x128xi32, #tpu.memory_space<hbm>>
        %dma_start3A_222 = tpu.memref_squeeze %dma_start3A_221 : memref<1x128xi32, #tpu.memory_space<hbm>> -> memref<128xi32, #tpu.memory_space<hbm>>
        tpu.enqueue_dma source(%dma_start3A_222 : memref<128xi32, #tpu.memory_space<hbm>>) target(%arg6 : memref<128xi32, #tpu.memory_space<vmem>>) target_semaphore(%arg15 : memref<!tpu.dma_semaphore, #tpu.memory_space<semaphore_mem>>)
        %add3A_223 = arith.addi %select_n3A, %min3A_214 : i32
        %mul3A_224 = arith.constant 128 : i32
        %mul3A_225 = arith.muli %add3A_223, %mul3A_224 : i32
        %dma_start3A_226 = arith.constant 1 : i32
        %dma_start3A_227 = tpu.memref_slice %arg3[%dma_start3A_226, %mul3A_225] : memref<2x320000xi32, #tpu.memory_space<hbm>> -> memref<1x128xi32, #tpu.memory_space<hbm>>
        %dma_start3A_228 = tpu.memref_squeeze %dma_start3A_227 : memref<1x128xi32, #tpu.memory_space<hbm>> -> memref<128xi32, #tpu.memory_space<hbm>>
        %dma_start3A_229 = tpu.memref_slice %arg3[%dma_start3A_226, %mul3A_225] : memref<2x320000xi32, #tpu.memory_space<hbm>> -> memref<1x128xi32, #tpu.memory_space<hbm>>
        %dma_start3A_230 = tpu.memref_squeeze %dma_start3A_229 : memref<1x128xi32, #tpu.memory_space<hbm>> -> memref<128xi32, #tpu.memory_space<hbm>>
        tpu.enqueue_dma source(%dma_start3A_230 : memref<128xi32, #tpu.memory_space<hbm>>) target(%arg8 : memref<128xi32, #tpu.memory_space<vmem>>) target_semaphore(%arg15 : memref<!tpu.dma_semaphore, #tpu.memory_space<semaphore_mem>>)
      } else {
      }
    }
    %while3A_98 = arith.constant 1 : i32
    scf.for %while3A_124 = %while3A_96 to %while3A_92 step %while3A_98  : i32 {
      %rem3A = arith.constant 2 : i32
      %rem3A_125 = arith.remsi %while3A_124, %rem3A : i32
      %sub3A = arith.constant 1 : i32
      %sub3A_126 = arith.subi %sub3A, %rem3A_125 : i32
      %add3A_127 = arith.constant 1 : i32
      %add3A_128 = arith.addi %while3A_124, %add3A_127 : i32
      %sub3A_129 = arith.constant 1 : i32
      %sub3A_130 = arith.subi %select_n3A_13, %sub3A_129 : i32
      %min3A_131 = arith.minsi %add3A_128, %sub3A_130 : i32
      %eq3A_132 = arith.constant 0 : i32
      %eq3A_133 = arith.cmpi eq, %sub3A_126, %eq3A_132 : i32
      %convert_element_type3A = arith.extui %eq3A_133 : i1 to i32
      %cond3A = arith.constant 0 : i32
      %cond3A_134 = arith.cmpi ne, %convert_element_type3A, %cond3A : i32
      scf.if %cond3A_134 {
        %dma_wait3A_150 = arith.constant 0 : i32
        %dma_wait3A_151 = arith.constant 0 : i32
        %dma_wait3A_152 = tpu.memref_slice %arg13[%dma_wait3A_150, %dma_wait3A_151] : memref<10240x128xf32, #tpu.memory_space<vmem_shared>> -> memref<10240x128xf32, #tpu.memory_space<vmem_shared>>
        tpu.wait_indirect_dma semaphore(%arg18 : memref<!tpu.dma_semaphore, #tpu.memory_space<semaphore_mem>>) src(%arg11 : memref<128x128xf32, #tpu.memory_space<vmem>>) dst(%dma_wait3A_152 : memref<10240x128xf32, #tpu.memory_space<vmem_shared>>)
        %dma_wait3A_153 = arith.constant 0 : i32
        %dma_wait3A_154 = arith.constant 0 : i32
        %dma_wait3A_155 = tpu.memref_slice %arg3[%dma_wait3A_153, %dma_wait3A_154] : memref<2x320000xi32, #tpu.memory_space<hbm>> -> memref<1x128xi32, #tpu.memory_space<hbm>>
        %dma_wait3A_156 = tpu.memref_squeeze %dma_wait3A_155 : memref<1x128xi32, #tpu.memory_space<hbm>> -> memref<128xi32, #tpu.memory_space<hbm>>
        %dma_wait3A_157 = arith.constant 0 : i32
        %dma_wait3A_158 = tpu.memref_slice %arg3[%dma_wait3A_153, %dma_wait3A_157] : memref<2x320000xi32, #tpu.memory_space<hbm>> -> memref<1x128xi32, #tpu.memory_space<hbm>>
        %dma_wait3A_159 = tpu.memref_squeeze %dma_wait3A_158 : memref<1x128xi32, #tpu.memory_space<hbm>> -> memref<128xi32, #tpu.memory_space<hbm>>
        tpu.wait_dma2 semaphore(%arg14 : memref<!tpu.dma_semaphore, #tpu.memory_space<semaphore_mem>>) src(%dma_wait3A_159 : memref<128xi32, #tpu.memory_space<hbm>>) dst(%arg5 : memref<128xi32, #tpu.memory_space<vmem>>)
        %dma_wait3A_160 = arith.constant 1 : i32
        %dma_wait3A_161 = arith.constant 0 : i32
        %dma_wait3A_162 = tpu.memref_slice %arg3[%dma_wait3A_160, %dma_wait3A_161] : memref<2x320000xi32, #tpu.memory_space<hbm>> -> memref<1x128xi32, #tpu.memory_space<hbm>>
        %dma_wait3A_163 = tpu.memref_squeeze %dma_wait3A_162 : memref<1x128xi32, #tpu.memory_space<hbm>> -> memref<128xi32, #tpu.memory_space<hbm>>
        %dma_wait3A_164 = arith.constant 0 : i32
        %dma_wait3A_165 = tpu.memref_slice %arg3[%dma_wait3A_160, %dma_wait3A_164] : memref<2x320000xi32, #tpu.memory_space<hbm>> -> memref<1x128xi32, #tpu.memory_space<hbm>>
        %dma_wait3A_166 = tpu.memref_squeeze %dma_wait3A_165 : memref<1x128xi32, #tpu.memory_space<hbm>> -> memref<128xi32, #tpu.memory_space<hbm>>
        tpu.wait_dma2 semaphore(%arg14 : memref<!tpu.dma_semaphore, #tpu.memory_space<semaphore_mem>>) src(%dma_wait3A_166 : memref<128xi32, #tpu.memory_space<hbm>>) dst(%arg7 : memref<128xi32, #tpu.memory_space<vmem>>)
        %dma_start3A_167 = arith.constant 0 : i32
        %dma_start3A_168 = arith.constant 0 : i32
        %dma_start3A_169 = tpu.memref_slice %arg2[%dma_start3A_167, %dma_start3A_168] : memref<10000x128xf32, #tpu.memory_space<hbm>> -> memref<10000x128xf32, #tpu.memory_space<hbm>>
        tpu.enqueue_indirect_dma source(%dma_start3A_169 : memref<10000x128xf32, #tpu.memory_space<hbm>>) target(%arg11 : memref<128x128xf32, #tpu.memory_space<vmem>>) offsets(%arg5 : memref<128xi32, #tpu.memory_space<vmem>>) semaphore(%arg16 : memref<!tpu.dma_semaphore, #tpu.memory_space<semaphore_mem>>)
      } else {
      }
      %eq3A_135 = arith.constant 1 : i32
      %eq3A_136 = arith.cmpi eq, %sub3A_126, %eq3A_135 : i32
      %convert_element_type3A_137 = arith.extui %eq3A_136 : i1 to i32
      %cond3A_138 = arith.constant 0 : i32
      %cond3A_139 = arith.cmpi ne, %convert_element_type3A_137, %cond3A_138 : i32
      scf.if %cond3A_139 {
        %gt3A = arith.constant 0 : i32
        %gt3A_150 = arith.cmpi sgt, %while3A_124, %gt3A : i32
        %convert_element_type3A_151 = arith.extui %gt3A_150 : i1 to i32
        %cond3A_152 = arith.constant 0 : i32
        %cond3A_153 = arith.cmpi ne, %convert_element_type3A_151, %cond3A_152 : i32
        scf.if %cond3A_153 {
          %dma_wait3A_171 = arith.constant 0 : i32
          %dma_wait3A_172 = arith.constant 0 : i32
          %dma_wait3A_173 = tpu.memref_slice %arg13[%dma_wait3A_171, %dma_wait3A_172] : memref<10240x128xf32, #tpu.memory_space<vmem_shared>> -> memref<10240x128xf32, #tpu.memory_space<vmem_shared>>
          tpu.wait_indirect_dma semaphore(%arg19 : memref<!tpu.dma_semaphore, #tpu.memory_space<semaphore_mem>>) src(%arg12 : memref<128x128xf32, #tpu.memory_space<vmem>>) dst(%dma_wait3A_173 : memref<10240x128xf32, #tpu.memory_space<vmem_shared>>)
        } else {
        }
        %dma_wait3A_154 = arith.constant 0 : i32
        %dma_wait3A_155 = arith.constant 0 : i32
        %dma_wait3A_156 = tpu.memref_slice %arg3[%dma_wait3A_154, %dma_wait3A_155] : memref<2x320000xi32, #tpu.memory_space<hbm>> -> memref<1x128xi32, #tpu.memory_space<hbm>>
        %dma_wait3A_157 = tpu.memref_squeeze %dma_wait3A_156 : memref<1x128xi32, #tpu.memory_space<hbm>> -> memref<128xi32, #tpu.memory_space<hbm>>
        %dma_wait3A_158 = arith.constant 0 : i32
        %dma_wait3A_159 = tpu.memref_slice %arg3[%dma_wait3A_154, %dma_wait3A_158] : memref<2x320000xi32, #tpu.memory_space<hbm>> -> memref<1x128xi32, #tpu.memory_space<hbm>>
        %dma_wait3A_160 = tpu.memref_squeeze %dma_wait3A_159 : memref<1x128xi32, #tpu.memory_space<hbm>> -> memref<128xi32, #tpu.memory_space<hbm>>
        tpu.wait_dma2 semaphore(%arg15 : memref<!tpu.dma_semaphore, #tpu.memory_space<semaphore_mem>>) src(%dma_wait3A_160 : memref<128xi32, #tpu.memory_space<hbm>>) dst(%arg6 : memref<128xi32, #tpu.memory_space<vmem>>)
        %dma_wait3A_161 = arith.constant 1 : i32
        %dma_wait3A_162 = arith.constant 0 : i32
        %dma_wait3A_163 = tpu.memref_slice %arg3[%dma_wait3A_161, %dma_wait3A_162] : memref<2x320000xi32, #tpu.memory_space<hbm>> -> memref<1x128xi32, #tpu.memory_space<hbm>>
        %dma_wait3A_164 = tpu.memref_squeeze %dma_wait3A_163 : memref<1x128xi32, #tpu.memory_space<hbm>> -> memref<128xi32, #tpu.memory_space<hbm>>
        %dma_wait3A_165 = arith.constant 0 : i32
        %dma_wait3A_166 = tpu.memref_slice %arg3[%dma_wait3A_161, %dma_wait3A_165] : memref<2x320000xi32, #tpu.memory_space<hbm>> -> memref<1x128xi32, #tpu.memory_space<hbm>>
        %dma_wait3A_167 = tpu.memref_squeeze %dma_wait3A_166 : memref<1x128xi32, #tpu.memory_space<hbm>> -> memref<128xi32, #tpu.memory_space<hbm>>
        tpu.wait_dma2 semaphore(%arg15 : memref<!tpu.dma_semaphore, #tpu.memory_space<semaphore_mem>>) src(%dma_wait3A_167 : memref<128xi32, #tpu.memory_space<hbm>>) dst(%arg8 : memref<128xi32, #tpu.memory_space<vmem>>)
        %dma_start3A_168 = arith.constant 0 : i32
        %dma_start3A_169 = arith.constant 0 : i32
        %dma_start3A_170 = tpu.memref_slice %arg2[%dma_start3A_168, %dma_start3A_169] : memref<10000x128xf32, #tpu.memory_space<hbm>> -> memref<10000x128xf32, #tpu.memory_space<hbm>>
        tpu.enqueue_indirect_dma source(%dma_start3A_170 : memref<10000x128xf32, #tpu.memory_space<hbm>>) target(%arg12 : memref<128x128xf32, #tpu.memory_space<vmem>>) offsets(%arg6 : memref<128xi32, #tpu.memory_space<vmem>>) semaphore(%arg17 : memref<!tpu.dma_semaphore, #tpu.memory_space<semaphore_mem>>)
      } else {
      }
      %eq3A_140 = arith.constant 0 : i32
      %eq3A_141 = arith.cmpi eq, %rem3A_125, %eq3A_140 : i32
      %convert_element_type3A_142 = arith.extui %eq3A_141 : i1 to i32
      %cond3A_143 = arith.constant 0 : i32
      %cond3A_144 = arith.cmpi ne, %convert_element_type3A_142, %cond3A_143 : i32
      scf.if %cond3A_144 {
        %dma_wait3A_150 = arith.constant 0 : i32
        %dma_wait3A_151 = arith.constant 0 : i32
        %dma_wait3A_152 = tpu.memref_slice %arg2[%dma_wait3A_150, %dma_wait3A_151] : memref<10000x128xf32, #tpu.memory_space<hbm>> -> memref<10000x128xf32, #tpu.memory_space<hbm>>
        tpu.wait_indirect_dma semaphore(%arg16 : memref<!tpu.dma_semaphore, #tpu.memory_space<semaphore_mem>>) src(%dma_wait3A_152 : memref<10000x128xf32, #tpu.memory_space<hbm>>) dst(%arg11 : memref<128x128xf32, #tpu.memory_space<vmem>>)
        %get3A = arith.constant 0 : index
        %get3A_153 = tpu.vector_load %arg7[%get3A] {strides = array<i32>} : memref<128xi32, #tpu.memory_space<vmem>>, vector<16xi32>,
        %get3A_154 = vector.shape_cast %get3A_153 : vector<16xi32> to vector<16xi32>
        %swap3A = arith.constant 0 : index
        %swap3A_155 = tpu.vector_load %arg9[%swap3A] {strides = array<i32>} : memref<128xi32, #tpu.memory_space<vmem>>, vector<16xi32>,
        %swap3A_156 = vector.shape_cast %swap3A_155 : vector<16xi32> to vector<16xi32>
        %swap3A_157 = vector.shape_cast %get3A_154 : vector<16xi32> to vector<16xi32>
        tpu.vector_store %arg9[%swap3A], %swap3A_157 {strides = array<i32>} : memref<128xi32, #tpu.memory_space<vmem>>, vector<16xi32>,
        %get3A_158 = arith.constant 16 : index
        %get3A_159 = tpu.vector_load %arg7[%get3A_158] {strides = array<i32>} : memref<128xi32, #tpu.memory_space<vmem>>, vector<16xi32>,
        %get3A_160 = vector.shape_cast %get3A_159 : vector<16xi32> to vector<16xi32>
        %swap3A_161 = arith.constant 16 : index
        %swap3A_162 = tpu.vector_load %arg9[%swap3A_161] {strides = array<i32>} : memref<128xi32, #tpu.memory_space<vmem>>, vector<16xi32>,
        %swap3A_163 = vector.shape_cast %swap3A_162 : vector<16xi32> to vector<16xi32>
        %swap3A_164 = vector.shape_cast %get3A_160 : vector<16xi32> to vector<16xi32>
        tpu.vector_store %arg9[%swap3A_161], %swap3A_164 {strides = array<i32>} : memref<128xi32, #tpu.memory_space<vmem>>, vector<16xi32>,
        %get3A_165 = arith.constant 32 : index
        %get3A_166 = tpu.vector_load %arg7[%get3A_165] {strides = array<i32>} : memref<128xi32, #tpu.memory_space<vmem>>, vector<16xi32>,
        %get3A_167 = vector.shape_cast %get3A_166 : vector<16xi32> to vector<16xi32>
        %swap3A_168 = arith.constant 32 : index
        %swap3A_169 = tpu.vector_load %arg9[%swap3A_168] {strides = array<i32>} : memref<128xi32, #tpu.memory_space<vmem>>, vector<16xi32>,
        %swap3A_170 = vector.shape_cast %swap3A_169 : vector<16xi32> to vector<16xi32>
        %swap3A_171 = vector.shape_cast %get3A_167 : vector<16xi32> to vector<16xi32>
        tpu.vector_store %arg9[%swap3A_168], %swap3A_171 {strides = array<i32>} : memref<128xi32, #tpu.memory_space<vmem>>, vector<16xi32>,
        %get3A_172 = arith.constant 48 : index
        %get3A_173 = tpu.vector_load %arg7[%get3A_172] {strides = array<i32>} : memref<128xi32, #tpu.memory_space<vmem>>, vector<16xi32>,
        %get3A_174 = vector.shape_cast %get3A_173 : vector<16xi32> to vector<16xi32>
        %swap3A_175 = arith.constant 48 : index
        %swap3A_176 = tpu.vector_load %arg9[%swap3A_175] {strides = array<i32>} : memref<128xi32, #tpu.memory_space<vmem>>, vector<16xi32>,
        %swap3A_177 = vector.shape_cast %swap3A_176 : vector<16xi32> to vector<16xi32>
        %swap3A_178 = vector.shape_cast %get3A_174 : vector<16xi32> to vector<16xi32>
        tpu.vector_store %arg9[%swap3A_175], %swap3A_178 {strides = array<i32>} : memref<128xi32, #tpu.memory_space<vmem>>, vector<16xi32>,
        %get3A_179 = arith.constant 64 : index
        %get3A_180 = tpu.vector_load %arg7[%get3A_179] {strides = array<i32>} : memref<128xi32, #tpu.memory_space<vmem>>, vector<16xi32>,
        %get3A_181 = vector.shape_cast %get3A_180 : vector<16xi32> to vector<16xi32>
        %swap3A_182 = arith.constant 64 : index
        %swap3A_183 = tpu.vector_load %arg9[%swap3A_182] {strides = array<i32>} : memref<128xi32, #tpu.memory_space<vmem>>, vector<16xi32>,
        %swap3A_184 = vector.shape_cast %swap3A_183 : vector<16xi32> to vector<16xi32>
        %swap3A_185 = vector.shape_cast %get3A_181 : vector<16xi32> to vector<16xi32>
        tpu.vector_store %arg9[%swap3A_182], %swap3A_185 {strides = array<i32>} : memref<128xi32, #tpu.memory_space<vmem>>, vector<16xi32>,
        %get3A_186 = arith.constant 80 : index
        %get3A_187 = tpu.vector_load %arg7[%get3A_186] {strides = array<i32>} : memref<128xi32, #tpu.memory_space<vmem>>, vector<16xi32>,
        %get3A_188 = vector.shape_cast %get3A_187 : vector<16xi32> to vector<16xi32>
        %swap3A_189 = arith.constant 80 : index
        %swap3A_190 = tpu.vector_load %arg9[%swap3A_189] {strides = array<i32>} : memref<128xi32, #tpu.memory_space<vmem>>, vector<16xi32>,
        %swap3A_191 = vector.shape_cast %swap3A_190 : vector<16xi32> to vector<16xi32>
        %swap3A_192 = vector.shape_cast %get3A_188 : vector<16xi32> to vector<16xi32>
        tpu.vector_store %arg9[%swap3A_189], %swap3A_192 {strides = array<i32>} : memref<128xi32, #tpu.memory_space<vmem>>, vector<16xi32>,
        %get3A_193 = arith.constant 96 : index
        %get3A_194 = tpu.vector_load %arg7[%get3A_193] {strides = array<i32>} : memref<128xi32, #tpu.memory_space<vmem>>, vector<16xi32>,
        %get3A_195 = vector.shape_cast %get3A_194 : vector<16xi32> to vector<16xi32>
        %swap3A_196 = arith.constant 96 : index
        %swap3A_197 = tpu.vector_load %arg9[%swap3A_196] {strides = array<i32>} : memref<128xi32, #tpu.memory_space<vmem>>, vector<16xi32>,
        %swap3A_198 = vector.shape_cast %swap3A_197 : vector<16xi32> to vector<16xi32>
        %swap3A_199 = vector.shape_cast %get3A_195 : vector<16xi32> to vector<16xi32>
        tpu.vector_store %arg9[%swap3A_196], %swap3A_199 {strides = array<i32>} : memref<128xi32, #tpu.memory_space<vmem>>, vector<16xi32>,
        %get3A_200 = arith.constant 112 : index
        %get3A_201 = tpu.vector_load %arg7[%get3A_200] {strides = array<i32>} : memref<128xi32, #tpu.memory_space<vmem>>, vector<16xi32>,
        %get3A_202 = vector.shape_cast %get3A_201 : vector<16xi32> to vector<16xi32>
        %swap3A_203 = arith.constant 112 : index
        %swap3A_204 = tpu.vector_load %arg9[%swap3A_203] {strides = array<i32>} : memref<128xi32, #tpu.memory_space<vmem>>, vector<16xi32>,
        %swap3A_205 = vector.shape_cast %swap3A_204 : vector<16xi32> to vector<16xi32>
        %swap3A_206 = vector.shape_cast %get3A_202 : vector<16xi32> to vector<16xi32>
        tpu.vector_store %arg9[%swap3A_203], %swap3A_206 {strides = array<i32>} : memref<128xi32, #tpu.memory_space<vmem>>, vector<16xi32>,
        %dma_start3A_207 = arith.constant 0 : i32
        %dma_start3A_208 = arith.constant 0 : i32
        %dma_start3A_209 = tpu.memref_slice %arg13[%dma_start3A_207, %dma_start3A_208] : memref<10240x128xf32, #tpu.memory_space<vmem_shared>> -> memref<10240x128xf32, #tpu.memory_space<vmem_shared>>
        tpu.enqueue_indirect_dma source(%arg11 : memref<128x128xf32, #tpu.memory_space<vmem>>) target(%dma_start3A_209 : memref<10240x128xf32, #tpu.memory_space<vmem_shared>>) offsets(%arg9 : memref<128xi32, #tpu.memory_space<vmem>>) semaphore(%arg18 : memref<!tpu.dma_semaphore, #tpu.memory_space<semaphore_mem>>) {add = true}
        %add3A_210 = arith.constant 2 : i32
        %add3A_211 = arith.addi %while3A_124, %add3A_210 : i32
        %sub3A_212 = arith.constant 1 : i32
        %sub3A_213 = arith.subi %select_n3A_13, %sub3A_212 : i32
        %min3A_214 = arith.minsi %add3A_211, %sub3A_213 : i32
        %add3A_215 = arith.addi %select_n3A, %min3A_214 : i32
        %mul3A_216 = arith.constant 128 : i32
        %mul3A_217 = arith.muli %add3A_215, %mul3A_216 : i32
        %dma_start3A_218 = arith.constant 0 : i32
        %dma_start3A_219 = tpu.memref_slice %arg3[%dma_start3A_218, %mul3A_217] : memref<2x320000xi32, #tpu.memory_space<hbm>> -> memref<1x128xi32, #tpu.memory_space<hbm>>
        %dma_start3A_220 = tpu.memref_squeeze %dma_start3A_219 : memref<1x128xi32, #tpu.memory_space<hbm>> -> memref<128xi32, #tpu.memory_space<hbm>>
        %dma_start3A_221 = tpu.memref_slice %arg3[%dma_start3A_218, %mul3A_217] : memref<2x320000xi32, #tpu.memory_space<hbm>> -> memref<1x128xi32, #tpu.memory_space<hbm>>
        %dma_start3A_222 = tpu.memref_squeeze %dma_start3A_221 : memref<1x128xi32, #tpu.memory_space<hbm>> -> memref<128xi32, #tpu.memory_space<hbm>>
        tpu.enqueue_dma source(%dma_start3A_222 : memref<128xi32, #tpu.memory_space<hbm>>) target(%arg5 : memref<128xi32, #tpu.memory_space<vmem>>) target_semaphore(%arg14 : memref<!tpu.dma_semaphore, #tpu.memory_space<semaphore_mem>>)
        %add3A_223 = arith.addi %select_n3A, %min3A_214 : i32
        %mul3A_224 = arith.constant 128 : i32
        %mul3A_225 = arith.muli %add3A_223, %mul3A_224 : i32
        %dma_start3A_226 = arith.constant 1 : i32
        %dma_start3A_227 = tpu.memref_slice %arg3[%dma_start3A_226, %mul3A_225] : memref<2x320000xi32, #tpu.memory_space<hbm>> -> memref<1x128xi32, #tpu.memory_space<hbm>>
        %dma_start3A_228 = tpu.memref_squeeze %dma_start3A_227 : memref<1x128xi32, #tpu.memory_space<hbm>> -> memref<128xi32, #tpu.memory_space<hbm>>
        %dma_start3A_229 = tpu.memref_slice %arg3[%dma_start3A_226, %mul3A_225] : memref<2x320000xi32, #tpu.memory_space<hbm>> -> memref<1x128xi32, #tpu.memory_space<hbm>>
        %dma_start3A_230 = tpu.memref_squeeze %dma_start3A_229 : memref<1x128xi32, #tpu.memory_space<hbm>> -> memref<128xi32, #tpu.memory_space<hbm>>
        tpu.enqueue_dma source(%dma_start3A_230 : memref<128xi32, #tpu.memory_space<hbm>>) target(%arg7 : memref<128xi32, #tpu.memory_space<vmem>>) target_semaphore(%arg14 : memref<!tpu.dma_semaphore, #tpu.memory_space<semaphore_mem>>)
      } else {
      }
      %eq3A_145 = arith.constant 1 : i32
      %eq3A_146 = arith.cmpi eq, %rem3A_125, %eq3A_145 : i32
      %convert_element_type3A_147 = arith.extui %eq3A_146 : i1 to i32
      %cond3A_148 = arith.constant 0 : i32
      %cond3A_149 = arith.cmpi ne, %convert_element_type3A_147, %cond3A_148 : i32
      scf.if %cond3A_149 {
        %dma_wait3A_150 = arith.constant 0 : i32
        %dma_wait3A_151 = arith.constant 0 : i32
        %dma_wait3A_152 = tpu.memref_slice %arg2[%dma_wait3A_150, %dma_wait3A_151] : memref<10000x128xf32, #tpu.memory_space<hbm>> -> memref<10000x128xf32, #tpu.memory_space<hbm>>
        tpu.wait_indirect_dma semaphore(%arg17 : memref<!tpu.dma_semaphore, #tpu.memory_space<semaphore_mem>>) src(%dma_wait3A_152 : memref<10000x128xf32, #tpu.memory_space<hbm>>) dst(%arg12 : memref<128x128xf32, #tpu.memory_space<vmem>>)
        %get3A = arith.constant 0 : index
        %get3A_153 = tpu.vector_load %arg8[%get3A] {strides = array<i32>} : memref<128xi32, #tpu.memory_space<vmem>>, vector<16xi32>,
        %get3A_154 = vector.shape_cast %get3A_153 : vector<16xi32> to vector<16xi32>
        %swap3A = arith.constant 0 : index
        %swap3A_155 = tpu.vector_load %arg10[%swap3A] {strides = array<i32>} : memref<128xi32, #tpu.memory_space<vmem>>, vector<16xi32>,
        %swap3A_156 = vector.shape_cast %swap3A_155 : vector<16xi32> to vector<16xi32>
        %swap3A_157 = vector.shape_cast %get3A_154 : vector<16xi32> to vector<16xi32>
        tpu.vector_store %arg10[%swap3A], %swap3A_157 {strides = array<i32>} : memref<128xi32, #tpu.memory_space<vmem>>, vector<16xi32>,
        %get3A_158 = arith.constant 16 : index
        %get3A_159 = tpu.vector_load %arg8[%get3A_158] {strides = array<i32>} : memref<128xi32, #tpu.memory_space<vmem>>, vector<16xi32>,
        %get3A_160 = vector.shape_cast %get3A_159 : vector<16xi32> to vector<16xi32>
        %swap3A_161 = arith.constant 16 : index
        %swap3A_162 = tpu.vector_load %arg10[%swap3A_161] {strides = array<i32>} : memref<128xi32, #tpu.memory_space<vmem>>, vector<16xi32>,
        %swap3A_163 = vector.shape_cast %swap3A_162 : vector<16xi32> to vector<16xi32>
        %swap3A_164 = vector.shape_cast %get3A_160 : vector<16xi32> to vector<16xi32>
        tpu.vector_store %arg10[%swap3A_161], %swap3A_164 {strides = array<i32>} : memref<128xi32, #tpu.memory_space<vmem>>, vector<16xi32>,
        %get3A_165 = arith.constant 32 : index
        %get3A_166 = tpu.vector_load %arg8[%get3A_165] {strides = array<i32>} : memref<128xi32, #tpu.memory_space<vmem>>, vector<16xi32>,
        %get3A_167 = vector.shape_cast %get3A_166 : vector<16xi32> to vector<16xi32>
        %swap3A_168 = arith.constant 32 : index
        %swap3A_169 = tpu.vector_load %arg10[%swap3A_168] {strides = array<i32>} : memref<128xi32, #tpu.memory_space<vmem>>, vector<16xi32>,
        %swap3A_170 = vector.shape_cast %swap3A_169 : vector<16xi32> to vector<16xi32>
        %swap3A_171 = vector.shape_cast %get3A_167 : vector<16xi32> to vector<16xi32>
        tpu.vector_store %arg10[%swap3A_168], %swap3A_171 {strides = array<i32>} : memref<128xi32, #tpu.memory_space<vmem>>, vector<16xi32>,
        %get3A_172 = arith.constant 48 : index
        %get3A_173 = tpu.vector_load %arg8[%get3A_172] {strides = array<i32>} : memref<128xi32, #tpu.memory_space<vmem>>, vector<16xi32>,
        %get3A_174 = vector.shape_cast %get3A_173 : vector<16xi32> to vector<16xi32>
        %swap3A_175 = arith.constant 48 : index
        %swap3A_176 = tpu.vector_load %arg10[%swap3A_175] {strides = array<i32>} : memref<128xi32, #tpu.memory_space<vmem>>, vector<16xi32>,
        %swap3A_177 = vector.shape_cast %swap3A_176 : vector<16xi32> to vector<16xi32>
        %swap3A_178 = vector.shape_cast %get3A_174 : vector<16xi32> to vector<16xi32>
        tpu.vector_store %arg10[%swap3A_175], %swap3A_178 {strides = array<i32>} : memref<128xi32, #tpu.memory_space<vmem>>, vector<16xi32>,
        %get3A_179 = arith.constant 64 : index
        %get3A_180 = tpu.vector_load %arg8[%get3A_179] {strides = array<i32>} : memref<128xi32, #tpu.memory_space<vmem>>, vector<16xi32>,
        %get3A_181 = vector.shape_cast %get3A_180 : vector<16xi32> to vector<16xi32>
        %swap3A_182 = arith.constant 64 : index
        %swap3A_183 = tpu.vector_load %arg10[%swap3A_182] {strides = array<i32>} : memref<128xi32, #tpu.memory_space<vmem>>, vector<16xi32>,
        %swap3A_184 = vector.shape_cast %swap3A_183 : vector<16xi32> to vector<16xi32>
        %swap3A_185 = vector.shape_cast %get3A_181 : vector<16xi32> to vector<16xi32>
        tpu.vector_store %arg10[%swap3A_182], %swap3A_185 {strides = array<i32>} : memref<128xi32, #tpu.memory_space<vmem>>, vector<16xi32>,
        %get3A_186 = arith.constant 80 : index
        %get3A_187 = tpu.vector_load %arg8[%get3A_186] {strides = array<i32>} : memref<128xi32, #tpu.memory_space<vmem>>, vector<16xi32>,
        %get3A_188 = vector.shape_cast %get3A_187 : vector<16xi32> to vector<16xi32>
        %swap3A_189 = arith.constant 80 : index
        %swap3A_190 = tpu.vector_load %arg10[%swap3A_189] {strides = array<i32>} : memref<128xi32, #tpu.memory_space<vmem>>, vector<16xi32>,
        %swap3A_191 = vector.shape_cast %swap3A_190 : vector<16xi32> to vector<16xi32>
        %swap3A_192 = vector.shape_cast %get3A_188 : vector<16xi32> to vector<16xi32>
        tpu.vector_store %arg10[%swap3A_189], %swap3A_192 {strides = array<i32>} : memref<128xi32, #tpu.memory_space<vmem>>, vector<16xi32>,
        %get3A_193 = arith.constant 96 : index
        %get3A_194 = tpu.vector_load %arg8[%get3A_193] {strides = array<i32>} : memref<128xi32, #tpu.memory_space<vmem>>, vector<16xi32>,
        %get3A_195 = vector.shape_cast %get3A_194 : vector<16xi32> to vector<16xi32>
        %swap3A_196 = arith.constant 96 : index
        %swap3A_197 = tpu.vector_load %arg10[%swap3A_196] {strides = array<i32>} : memref<128xi32, #tpu.memory_space<vmem>>, vector<16xi32>,
        %swap3A_198 = vector.shape_cast %swap3A_197 : vector<16xi32> to vector<16xi32>
        %swap3A_199 = vector.shape_cast %get3A_195 : vector<16xi32> to vector<16xi32>
        tpu.vector_store %arg10[%swap3A_196], %swap3A_199 {strides = array<i32>} : memref<128xi32, #tpu.memory_space<vmem>>, vector<16xi32>,
        %get3A_200 = arith.constant 112 : index
        %get3A_201 = tpu.vector_load %arg8[%get3A_200] {strides = array<i32>} : memref<128xi32, #tpu.memory_space<vmem>>, vector<16xi32>,
        %get3A_202 = vector.shape_cast %get3A_201 : vector<16xi32> to vector<16xi32>
        %swap3A_203 = arith.constant 112 : index
        %swap3A_204 = tpu.vector_load %arg10[%swap3A_203] {strides = array<i32>} : memref<128xi32, #tpu.memory_space<vmem>>, vector<16xi32>,
        %swap3A_205 = vector.shape_cast %swap3A_204 : vector<16xi32> to vector<16xi32>
        %swap3A_206 = vector.shape_cast %get3A_202 : vector<16xi32> to vector<16xi32>
        tpu.vector_store %arg10[%swap3A_203], %swap3A_206 {strides = array<i32>} : memref<128xi32, #tpu.memory_space<vmem>>, vector<16xi32>,
        %dma_start3A_207 = arith.constant 0 : i32
        %dma_start3A_208 = arith.constant 0 : i32
        %dma_start3A_209 = tpu.memref_slice %arg13[%dma_start3A_207, %dma_start3A_208] : memref<10240x128xf32, #tpu.memory_space<vmem_shared>> -> memref<10240x128xf32, #tpu.memory_space<vmem_shared>>
        tpu.enqueue_indirect_dma source(%arg12 : memref<128x128xf32, #tpu.memory_space<vmem>>) target(%dma_start3A_209 : memref<10240x128xf32, #tpu.memory_space<vmem_shared>>) offsets(%arg10 : memref<128xi32, #tpu.memory_space<vmem>>) semaphore(%arg19 : memref<!tpu.dma_semaphore, #tpu.memory_space<semaphore_mem>>) {add = true}
        %add3A_210 = arith.constant 2 : i32
        %add3A_211 = arith.addi %while3A_124, %add3A_210 : i32
        %sub3A_212 = arith.constant 1 : i32
        %sub3A_213 = arith.subi %select_n3A_13, %sub3A_212 : i32
        %min3A_214 = arith.minsi %add3A_211, %sub3A_213 : i32
        %add3A_215 = arith.addi %select_n3A, %min3A_214 : i32
        %mul3A_216 = arith.constant 128 : i32
        %mul3A_217 = arith.muli %add3A_215, %mul3A_216 : i32
        %dma_start3A_218 = arith.constant 0 : i32
        %dma_start3A_219 = tpu.memref_slice %arg3[%dma_start3A_218, %mul3A_217] : memref<2x320000xi32, #tpu.memory_space<hbm>> -> memref<1x128xi32, #tpu.memory_space<hbm>>
        %dma_start3A_220 = tpu.memref_squeeze %dma_start3A_219 : memref<1x128xi32, #tpu.memory_space<hbm>> -> memref<128xi32, #tpu.memory_space<hbm>>
        %dma_start3A_221 = tpu.memref_slice %arg3[%dma_start3A_218, %mul3A_217] : memref<2x320000xi32, #tpu.memory_space<hbm>> -> memref<1x128xi32, #tpu.memory_space<hbm>>
        %dma_start3A_222 = tpu.memref_squeeze %dma_start3A_221 : memref<1x128xi32, #tpu.memory_space<hbm>> -> memref<128xi32, #tpu.memory_space<hbm>>
        tpu.enqueue_dma source(%dma_start3A_222 : memref<128xi32, #tpu.memory_space<hbm>>) target(%arg6 : memref<128xi32, #tpu.memory_space<vmem>>) target_semaphore(%arg15 : memref<!tpu.dma_semaphore, #tpu.memory_space<semaphore_mem>>)
        %add3A_223 = arith.addi %select_n3A, %min3A_214 : i32
        %mul3A_224 = arith.constant 128 : i32
        %mul3A_225 = arith.muli %add3A_223, %mul3A_224 : i32
        %dma_start3A_226 = arith.constant 1 : i32
        %dma_start3A_227 = tpu.memref_slice %arg3[%dma_start3A_226, %mul3A_225] : memref<2x320000xi32, #tpu.memory_space<hbm>> -> memref<1x128xi32, #tpu.memory_space<hbm>>
        %dma_start3A_228 = tpu.memref_squeeze %dma_start3A_227 : memref<1x128xi32, #tpu.memory_space<hbm>> -> memref<128xi32, #tpu.memory_space<hbm>>
        %dma_start3A_229 = tpu.memref_slice %arg3[%dma_start3A_226, %mul3A_225] : memref<2x320000xi32, #tpu.memory_space<hbm>> -> memref<1x128xi32, #tpu.memory_space<hbm>>
        %dma_start3A_230 = tpu.memref_squeeze %dma_start3A_229 : memref<1x128xi32, #tpu.memory_space<hbm>> -> memref<128xi32, #tpu.memory_space<hbm>>
        tpu.enqueue_dma source(%dma_start3A_230 : memref<128xi32, #tpu.memory_space<hbm>>) target(%arg8 : memref<128xi32, #tpu.memory_space<vmem>>) target_semaphore(%arg15 : memref<!tpu.dma_semaphore, #tpu.memory_space<semaphore_mem>>)
      } else {
      }
    }
    %dma_wait3A_99 = arith.constant 0 : i32
    %dma_wait3A_100 = arith.constant 0 : i32
    %dma_wait3A_101 = tpu.memref_slice %arg2[%dma_wait3A_99, %dma_wait3A_100] : memref<10000x128xf32, #tpu.memory_space<hbm>> -> memref<10000x128xf32, #tpu.memory_space<hbm>>
    tpu.wait_indirect_dma semaphore(%arg16 : memref<!tpu.dma_semaphore, #tpu.memory_space<semaphore_mem>>) src(%dma_wait3A_101 : memref<10000x128xf32, #tpu.memory_space<hbm>>) dst(%arg11 : memref<128x128xf32, #tpu.memory_space<vmem>>)
    %dma_wait3A_102 = arith.constant 0 : i32
    %dma_wait3A_103 = arith.constant 0 : i32
    %dma_wait3A_104 = tpu.memref_slice %arg3[%dma_wait3A_102, %dma_wait3A_103] : memref<2x320000xi32, #tpu.memory_space<hbm>> -> memref<1x128xi32, #tpu.memory_space<hbm>>
    %dma_wait3A_105 = tpu.memref_squeeze %dma_wait3A_104 : memref<1x128xi32, #tpu.memory_space<hbm>> -> memref<128xi32, #tpu.memory_space<hbm>>
    %dma_wait3A_106 = arith.constant 0 : i32
    %dma_wait3A_107 = tpu.memref_slice %arg3[%dma_wait3A_102, %dma_wait3A_106] : memref<2x320000xi32, #tpu.memory_space<hbm>> -> memref<1x128xi32, #tpu.memory_space<hbm>>
    %dma_wait3A_108 = tpu.memref_squeeze %dma_wait3A_107 : memref<1x128xi32, #tpu.memory_space<hbm>> -> memref<128xi32, #tpu.memory_space<hbm>>
    tpu.wait_dma2 semaphore(%arg15 : memref<!tpu.dma_semaphore, #tpu.memory_space<semaphore_mem>>) src(%dma_wait3A_108 : memref<128xi32, #tpu.memory_space<hbm>>) dst(%arg6 : memref<128xi32, #tpu.memory_space<vmem>>)
    %dma_wait3A_109 = arith.constant 1 : i32
    %dma_wait3A_110 = arith.constant 0 : i32
    %dma_wait3A_111 = tpu.memref_slice %arg3[%dma_wait3A_109, %dma_wait3A_110] : memref<2x320000xi32, #tpu.memory_space<hbm>> -> memref<1x128xi32, #tpu.memory_space<hbm>>
    %dma_wait3A_112 = tpu.memref_squeeze %dma_wait3A_111 : memref<1x128xi32, #tpu.memory_space<hbm>> -> memref<128xi32, #tpu.memory_space<hbm>>
    %dma_wait3A_113 = arith.constant 0 : i32
    %dma_wait3A_114 = tpu.memref_slice %arg3[%dma_wait3A_109, %dma_wait3A_113] : memref<2x320000xi32, #tpu.memory_space<hbm>> -> memref<1x128xi32, #tpu.memory_space<hbm>>
    %dma_wait3A_115 = tpu.memref_squeeze %dma_wait3A_114 : memref<1x128xi32, #tpu.memory_space<hbm>> -> memref<128xi32, #tpu.memory_space<hbm>>
    tpu.wait_dma2 semaphore(%arg15 : memref<!tpu.dma_semaphore, #tpu.memory_space<semaphore_mem>>) src(%dma_wait3A_115 : memref<128xi32, #tpu.memory_space<hbm>>) dst(%arg8 : memref<128xi32, #tpu.memory_space<vmem>>)
    %dma_wait3A_116 = arith.constant 0 : i32
    %dma_wait3A_117 = arith.constant 0 : i32
    %dma_wait3A_118 = tpu.memref_slice %arg13[%dma_wait3A_116, %dma_wait3A_117] : memref<10240x128xf32, #tpu.memory_space<vmem_shared>> -> memref<10240x128xf32, #tpu.memory_space<vmem_shared>>
    tpu.wait_indirect_dma semaphore(%arg19 : memref<!tpu.dma_semaphore, #tpu.memory_space<semaphore_mem>>) src(%arg12 : memref<128x128xf32, #tpu.memory_space<vmem>>) dst(%dma_wait3A_118 : memref<10240x128xf32, #tpu.memory_space<vmem_shared>>)
    %barrier3A_119 = arith.constant 0 : index
    tpu.barrier barrier_id(%barrier3A_119)
    %mul3A_120 = arith.constant 640 : i32
    %mul3A_121 = arith.muli %arg1, %mul3A_120 : i32
    %mul3A_122 = arith.constant 640 : i32
    %mul3A_123 = arith.muli %arg1, %mul3A_122 : i32
    "tpu.region"() ({
      %run_scoped3A = tpu.sem_alloc : memref<!tpu.dma_semaphore, #tpu.memory_space<semaphore_mem>>
      %dma_start3A_124 = arith.constant 0 : i32
      %dma_start3A_125 = tpu.memref_slice %arg4[%arg0, %mul3A_123, %dma_start3A_124] : memref<2x10240x128xf32, #tpu.memory_space<hbm>> -> memref<1x640x128xf32, #tpu.memory_space<hbm>>
      %dma_start3A_126 = tpu.memref_squeeze %dma_start3A_125 : memref<1x640x128xf32, #tpu.memory_space<hbm>> -> memref<640x128xf32, #tpu.memory_space<hbm>>
      %dma_start3A_127 = arith.constant 0 : i32
      %dma_start3A_128 = tpu.memref_slice %arg13[%mul3A_121, %dma_start3A_127] : memref<10240x128xf32, #tpu.memory_space<vmem_shared>> -> memref<640x128xf32, #tpu.memory_space<vmem_shared>>
      tpu.enqueue_dma source(%dma_start3A_128 : memref<640x128xf32, #tpu.memory_space<vmem_shared>>) target(%dma_start3A_126 : memref<640x128xf32, #tpu.memory_space<hbm>>) target_semaphore(%run_scoped3A : memref<!tpu.dma_semaphore, #tpu.memory_space<semaphore_mem>>)
      %dma_wait3A_129 = arith.constant 0 : i32
      %dma_wait3A_130 = tpu.memref_slice %arg4[%arg0, %mul3A_123, %dma_wait3A_129] : memref<2x10240x128xf32, #tpu.memory_space<hbm>> -> memref<1x640x128xf32, #tpu.memory_space<hbm>>
      %dma_wait3A_131 = tpu.memref_squeeze %dma_wait3A_130 : memref<1x640x128xf32, #tpu.memory_space<hbm>> -> memref<640x128xf32, #tpu.memory_space<hbm>>
      %dma_wait3A_132 = arith.constant 0 : i32
      %dma_wait3A_133 = tpu.memref_slice %arg13[%mul3A_121, %dma_wait3A_132] : memref<10240x128xf32, #tpu.memory_space<vmem_shared>> -> memref<640x128xf32, #tpu.memory_space<vmem_shared>>
      tpu.wait_dma2 semaphore(%run_scoped3A : memref<!tpu.dma_semaphore, #tpu.memory_space<semaphore_mem>>) src(%dma_wait3A_133 : memref<640x128xf32, #tpu.memory_space<vmem_shared>>) dst(%dma_wait3A_131 : memref<640x128xf32, #tpu.memory_space<hbm>>)
      tpu.yield
    }) : () -> ()
    return
  }
}

module attributes {stable_mosaic.version = 14 : i64} {
  func.func @_combine_body(%arg0: i32, %arg1: memref<2x2000x128xf32, #tpu.memory_space<vmem>>, %arg2: memref<2000x1xf32, #tpu.memory_space<vmem>>, %arg3: memref<1x128xf32, #tpu.memory_space<vmem>>, %arg4: memref<2000x128xf32, #tpu.memory_space<vmem>>) attributes {dimension_semantics = [#tpu.dimension_semantics<arbitrary>], iteration_bounds = array<i64: 5>, scalar_prefetch = 0 : i64, scratch_operands = 0 : i64, tpu.core_type = #tpu.core_type<tc>, window_params = [{transform_indices = @transform_0, window_bounds = array<i64: 2, 2000, 128>}, {transform_indices = @transform_1, window_bounds = array<i64: 2000, 1>}, {pipeline_mode = #tpu.pipeline_mode<synchronous>, transform_indices = @transform_2, window_bounds = array<i64: 1, 128>}, {transform_indices = @transform_3, window_bounds = array<i64: 2000, 128>}]} {
    %get3A = arith.constant 0 : index
    %get3A_0 = arith.constant 0 : index
    %get3A_1 = arith.constant 0 : index
    %get3A_2 = vector.load %arg1[%get3A, %get3A_0, %get3A_1] : memref<2x2000x128xf32, #tpu.memory_space<vmem>>, vector<1x2000x128xf32>
    %get3A_3 = vector.shape_cast %get3A_2 : vector<1x2000x128xf32> to vector<2000x128xf32>
    %get3A_4 = arith.constant 1 : index
    %get3A_5 = arith.constant 0 : index
    %get3A_6 = arith.constant 0 : index
    %get3A_7 = vector.load %arg1[%get3A_4, %get3A_5, %get3A_6] : memref<2x2000x128xf32, #tpu.memory_space<vmem>>, vector<1x2000x128xf32>
    %get3A_8 = vector.shape_cast %get3A_7 : vector<1x2000x128xf32> to vector<2000x128xf32>
    %add3A = arith.addf %get3A_3, %get3A_8 : vector<2000x128xf32>
    %get3A_9 = arith.constant 0 : index
    %get3A_10 = arith.constant 0 : index
    %get3A_11 = vector.load %arg2[%get3A_9, %get3A_10] : memref<2000x1xf32, #tpu.memory_space<vmem>>, vector<2000x1xf32>
    %div3A = vector.broadcast %get3A_11 : vector<2000x1xf32> to vector<2000x128xf32>
    %div3A_12 = arith.divf %add3A, %div3A : vector<2000x128xf32>
    %get3A_13 = arith.constant 0 : index
    %get3A_14 = arith.constant 0 : index
    %get3A_15 = vector.load %arg3[%get3A_13, %get3A_14] : memref<1x128xf32, #tpu.memory_space<vmem>>, vector<1x128xf32>
    %add3A_16 = vector.broadcast %get3A_15 : vector<1x128xf32> to vector<2000x128xf32>
    %add3A_17 = arith.addf %div3A_12, %add3A_16 : vector<2000x128xf32>
    %swap3A = arith.constant 0 : index
    %swap3A_18 = arith.constant 0 : index
    %swap3A_19 = vector.load %arg4[%swap3A, %swap3A_18] : memref<2000x128xf32, #tpu.memory_space<vmem>>, vector<2000x128xf32>
    tpu.vector_store %arg4[%swap3A, %swap3A_18], %add3A_17 {strides = array<i32>} : memref<2000x128xf32, #tpu.memory_space<vmem>>, vector<2000x128xf32>,
    return
  }
  func.func @transform_0(%arg0: i32) -> (i32, i32, i32) {
    %c0_i32 = arith.constant 0 : i32
    %c0_i32_0 = arith.constant 0 : i32
    %c0_i32_1 = arith.constant 0 : i32
    return %c0_i32, %arg0, %c0_i32_0 : i32, i32, i32
  }
  func.func @transform_1(%arg0: i32) -> (i32, i32) {
    %c0_i32 = arith.constant 0 : i32
    %c0_i32_0 = arith.constant 0 : i32
    return %arg0, %c0_i32 : i32, i32
  }
  func.func @transform_2(%arg0: i32) -> (i32, i32) {
    %c0_i32 = arith.constant 0 : i32
    %c0_i32_0 = arith.constant 0 : i32
    %c0_i32_1 = arith.constant 0 : i32
    return %c0_i32, %c0_i32_0 : i32, i32
  }
  func.func @transform_3(%arg0: i32) -> (i32, i32) {
    %c0_i32 = arith.constant 0 : i32
    %c0_i32_0 = arith.constant 0 : i32
    return %arg0, %c0_i32 : i32, i32
  }
}

module attributes {stable_mosaic.version = 14 : i64} {
  func.func @_linear_body(%arg0: i32, %arg1: memref<1000x128xf32, #tpu.memory_space<vmem>>, %arg2: memref<1000x1xf32, #tpu.memory_space<vmem>>, %arg3: memref<128x128xf32, #tpu.memory_space<vmem>>, %arg4: memref<1000x128xf32, #tpu.memory_space<vmem>>) attributes {dimension_semantics = [#tpu.dimension_semantics<arbitrary>], iteration_bounds = array<i64: 10>, scalar_prefetch = 0 : i64, scratch_operands = 0 : i64, tpu.core_type = #tpu.core_type<tc>, window_params = [{transform_indices = @transform_0, window_bounds = array<i64: 1000, 128>}, {transform_indices = @transform_1, window_bounds = array<i64: 1000, 1>}, {pipeline_mode = #tpu.pipeline_mode<synchronous>, transform_indices = @transform_2, window_bounds = array<i64: 128, 128>}, {transform_indices = @transform_3, window_bounds = array<i64: 1000, 128>}]} {
    %get3A = arith.constant 0 : index
    %get3A_0 = arith.constant 0 : index
    %get3A_1 = vector.load %arg1[%get3A, %get3A_0] : memref<1000x128xf32, #tpu.memory_space<vmem>>, vector<1000x128xf32>
    %get3A_2 = arith.constant 0 : index
    %get3A_3 = arith.constant 0 : index
    %get3A_4 = vector.load %arg2[%get3A_2, %get3A_3] : memref<1000x1xf32, #tpu.memory_space<vmem>>, vector<1000x1xf32>
    %div3A = vector.broadcast %get3A_4 : vector<1000x1xf32> to vector<1000x128xf32>
    %div3A_5 = arith.divf %get3A_1, %div3A : vector<1000x128xf32>
    %get3A_6 = arith.constant 0 : index
    %get3A_7 = arith.constant 0 : index
    %get3A_8 = vector.load %arg3[%get3A_6, %get3A_7] : memref<128x128xf32, #tpu.memory_space<vmem>>, vector<128x128xf32>
    %dot_general3A = arith.constant dense<0.000000e+00> : vector<1000x128xf32>
    %dot_general3A_9 = tpu.matmul %div3A_5, %get3A_8, %dot_general3A {dimension_numbers = #tpu.dot_dimension_numbers<[1], [1], [0], [0], [0, 0, 1, 0], [], []>, transpose_lhs_hint = false} : vector<1000x128xf32>, vector<128x128xf32>, vector<1000x128xf32> -> vector<1000x128xf32>
    %swap3A = arith.constant 0 : index
    %swap3A_10 = arith.constant 0 : index
    %swap3A_11 = vector.load %arg4[%swap3A, %swap3A_10] : memref<1000x128xf32, #tpu.memory_space<vmem>>, vector<1000x128xf32>
    tpu.vector_store %arg4[%swap3A, %swap3A_10], %dot_general3A_9 {strides = array<i32>} : memref<1000x128xf32, #tpu.memory_space<vmem>>, vector<1000x128xf32>,
    return
  }
  func.func @transform_0(%arg0: i32) -> (i32, i32) {
    %c0_i32 = arith.constant 0 : i32
    %c0_i32_0 = arith.constant 0 : i32
    return %arg0, %c0_i32 : i32, i32
  }
  func.func @transform_1(%arg0: i32) -> (i32, i32) {
    %c0_i32 = arith.constant 0 : i32
    %c0_i32_0 = arith.constant 0 : i32
    return %arg0, %c0_i32 : i32, i32
  }
  func.func @transform_2(%arg0: i32) -> (i32, i32) {
    %c0_i32 = arith.constant 0 : i32
    %c0_i32_0 = arith.constant 0 : i32
    %c0_i32_1 = arith.constant 0 : i32
    return %c0_i32, %c0_i32_0 : i32, i32
  }
  func.func @transform_3(%arg0: i32) -> (i32, i32) {
    %c0_i32 = arith.constant 0 : i32
    %c0_i32_0 = arith.constant 0 : i32
    return %arg0, %c0_i32 : i32, i32
  }
}

</mosaic_0001>

<sc_bundles>
// kernel: kernel.5.cloned.1.call-start
scs
__scs_entry_jumppad:
0x0: {  	(pc) =	sbr.rel $0x88, $3  }
0x1: {  	(tag) =	ssettag $0x0;
	lr =	simm.s32 $0x1  }
0x2: {  	[smem:$0x3F9B] =	sst lr;
	_ =	strace $0xD0000000  }
0x3: {  	_ = 	snop  }
0x4: {  	_ = 	snop  }
0x5: {  	_ = 	snop  }
0x6: {  	_ = 	snop  }
0x7: {  	_ = 	snop  }
__scs_overlays_trampoline_lowered:
0x8: {  	[smem:$0x3FAA] =	sst s0  }
0x9: {  	[smem:$0x3FAB] =	sst s1  }
0xa: {  	[smem:$0x3FAC] =	sst s2  }
0xb: {  	[smem:$0x3FAD] =	sst s3  }
0xc: {  	[smem:$0x3FAE] =	sst s4  }
0xd: {  	[smem:$0x3FAF] =	sst s5  }
0xe: {  	[smem:$0x3FB0] =	sst s6  }
0xf: {  	[smem:$0x3FB1] =	sst s7  }
0x10: {  	[smem:$0x3FB2] =	sst s8  }
0x11: {  	[smem:$0x3FB3] =	sst s9;
	s0 =	simm.s32 @!p0 $0x0  }
0x12: {  	s1 =	sld [smem:$0x3F99];
	s0 =	simm.s32 @p0 $0x1  }
0x13: {  	[smem:$0x3FB4] =	sst s0;
	s0 =	simm.s32 @!p1 $0x0  }
0x14: {  	s2 =	sld [smem:$0x3F98];
	s0 =	simm.s32 @p1 $0x1  }
0x15: {  	[smem:$0x3FB5] =	sst s0;
	s0 =	simm.s32 @!p2 $0x0  }
0x16: {  	s3 =	sld [smem:$0x3FDB];
	s0 =	simm.s32 @p2 $0x1  }
0x17: {  	s4 =	simm.s32 $0x1BF5;
	[smem:$0x3FB7] =	sst s0  }
0x18: {  	s0 =	sld [smem:$0x3F9A];
	_ =	swait.ge [sflag:s4], $0x0  }
0x19: {  	s7 =	sld [smem:$0x3F9B]  }
0x1a: {  	s8 =	sadd.s32 $0xFFFFE003, lr  }
0x1b: {  	s9 =	sadd.s32 $0xFFFFFEF7, lr;
	s5 =	simm.s32 $0xFFFFFFFF;
	p2 =	slt.u32 s8, $0xFFFFF086  }
0x1c: {  	p1 =	slt.u32 s9, $0xF7A;
	s5 =	simm.s32 @!p2 $0x0  }
0x1d: {  	s5 =	simm.s32 @p1 $0x1;
	p0 =	seq.s32 s7, s2  }
0x1e: {  	s7 =	smul.u32 @!p0 $0xF7A, s2;
	p2 =	seq.s32 @!p0 s5, $0x0  }
0x1f: {  	s9 =	smul.u32 $0xF7A, s1;
	s8 =	simm.s32 @!p0 $0x1BF5;
	p2 =	por !p2, p0  }
0x20: {  	[sflag:s8] =	ssyncset.s32 @!p0 $0xFFFFF086;
	s6 =	sadd.s32 @!p0 s3, s7;
	s7 =	simm.s32 @!p0 $0x108  }
0x21: {  	s3 =	sadd.s32 s3, s9;
	s6 =	sadd.s32 @!p0 $0x88, s6;
	s7 =	simm.s32 @p2 $0x1082  }
0x22: {  	[simem:s7], [sflag:s8] =	dma.local @!p0 [hbm:s6], $0xF7A  }
0x23: {  	s9 =	sor.u32 $0xD0000000, s2;
	s6 =	simm.s32 $0x108;
	_ =	swait.ge @!p0 [sflag:s8], $0x0  }
0x24: {  	s3 =	sadd.s32 $0x88, s3;
	s6 =	simm.s32 @!p1 $0x1082;
	[sflag:s4] =	ssyncset.s32 $0xFFFFF086  }
0x25: {  	[simem:s6], [sflag:s4] =	dma.local [hbm:s3], $0xF7A  }
0x26: {  	[smem:$0x3F9B] =	sst s1;
	(tag) =	ssettag s2;
	_ =	strace s9  }
0x27: {  	s1 =	sld [smem:$0x3FAB]  }
0x28: {  	s2 =	sld [smem:$0x3FAC]  }
0x29: {  	s4 =	sld [smem:$0x3FAE]  }
0x2a: {  	p0 =	seq.s32 s5, $0x0;
	s5 =	sld [smem:$0x3FAF]  }
0x2b: {  	s6 =	sld [smem:$0x3FB0]  }
0x2c: {  	s7 =	sld [smem:$0x3FB1]  }
0x2d: {  	s3 =	simm.s32 $0x108;
	s8 =	sld [smem:$0x3FB2]  }
0x2e: {  	s3 =	simm.s32 @!p0 $0x1082;
	s9 =	sld [smem:$0x3FB3]  }
0x2f: {  	lr =	sadd.s32 s0, s3;
	s0 =	sld [smem:$0x3FAA]  }
0x30: {  	s3 =	sld [smem:$0x3FAD]  }
0x31: {  	[smem:$0x3FB6] =	sst s10  }
0x32: {  	s10 =	sld [smem:$0x3FB4];
	_ =	sdelay $0x3  }
0x33: {  	p0 =	seq.s32 s10, $0x1;
	s10 =	sld [smem:$0x3FB6];
	_ =	sdelay $0x3  }
0x34: {  	[smem:$0x3FB6] =	sst s10  }
0x35: {  	s10 =	sld [smem:$0x3FB5];
	_ =	sdelay $0x3  }
0x36: {  	p1 =	seq.s32 s10, $0x1;
	s10 =	sld [smem:$0x3FB6];
	_ =	sdelay $0x3  }
0x37: {  	[smem:$0x3FB6] =	sst s10  }
0x38: {  	s10 =	sld [smem:$0x3FB7]  }
0x39: {  	_ = 	snop;
	(pc) =	sbr.ind lr, $3  }
0x3a: {  	_ = 	snop  }
0x3b: {  	_ = 	snop  }
0x3c: {  	p2 =	seq.s32 s10, $0x1;
	s10 =	sld [smem:$0x3FB6]  }
0x3d: {  	_ =	shalt  }
0x3e: {  	_ =	shalt  }
0x3f: {  	_ =	shalt  }
0x40: {  	_ =	shalt  }
0x41: {  	_ =	shalt  }
0x42: {  	_ =	shalt  }
0x43: {  	_ =	shalt  }
0x44: {  	_ =	shalt  }
0x45: {  	_ =	shalt  }
0x46: {  	_ =	shalt  }
0x47: {  	_ =	shalt  }
0x48: {  	_ =	shalt  }
0x49: {  	_ =	shalt  }
0x4a: {  	_ =	shalt  }
0x4b: {  	_ =	shalt  }
0x4c: {  	_ =	shalt  }
0x4d: {  	_ =	shalt  }
0x4e: {  	_ =	shalt  }
0x4f: {  	_ =	shalt  }
0x50: {  	_ =	shalt  }
0x51: {  	_ =	shalt  }
0x52: {  	_ =	shalt  }
0x53: {  	_ =	shalt  }
0x54: {  	_ =	shalt  }
0x55: {  	_ =	shalt  }
0x56: {  	_ =	shalt  }
0x57: {  	_ =	shalt  }
0x58: {  	_ =	shalt  }
0x59: {  	_ =	shalt  }
0x5a: {  	_ =	shalt  }
0x5b: {  	_ =	shalt  }
0x5c: {  	_ =	shalt  }
0x5d: {  	_ =	shalt  }
0x5e: {  	_ =	shalt  }
0x5f: {  	_ =	shalt  }
0x60: {  	_ =	shalt  }
0x61: {  	_ =	shalt  }
0x62: {  	_ =	shalt  }
0x63: {  	_ =	shalt  }
0x64: {  	_ =	shalt  }
0x65: {  	_ =	shalt  }
0x66: {  	_ =	shalt  }
0x67: {  	_ =	shalt  }
0x68: {  	_ =	shalt  }
0x69: {  	_ =	shalt  }
0x6a: {  	_ =	shalt  }
0x6b: {  	_ =	shalt  }
0x6c: {  	_ =	shalt  }
0x6d: {  	_ =	shalt  }
0x6e: {  	_ =	shalt  }
0x6f: {  	_ =	shalt  }
0x70: {  	_ =	shalt  }
0x71: {  	_ =	shalt  }
0x72: {  	_ =	shalt  }
0x73: {  	_ =	shalt  }
0x74: {  	_ =	shalt  }
0x75: {  	_ =	shalt  }
0x76: {  	_ =	shalt  }
0x77: {  	_ =	shalt  }
0x78: {  	_ =	shalt  }
0x79: {  	_ =	shalt  }
0x7a: {  	_ =	shalt  }
0x7b: {  	_ =	shalt  }
0x7c: {  	_ =	shalt  }
0x7d: {  	_ =	shalt  }
0x7e: {  	_ =	shalt  }
0x7f: {  	_ =	shalt  }
0x80: {  	_ =	shalt  }
0x81: {  	_ =	shalt  }
0x82: {  	_ =	shalt  }
0x83: {  	_ =	shalt  }
0x84: {  	_ =	shalt  }
0x85: {  	_ =	shalt  }
0x86: {  	_ =	shalt  }
0x87: {  	_ =	shalt  }
.Lfunc_end0:
.L_simem_size_0:
called_computation_lowered:
.L_overlay_start_0:
0x88: {  	s2 =	sld [smem:$0x3FD9]  }
0x89: {  	s3 =	sld [smem:$0x3FFE];
	_ =	sdelay $0x1  }
0x8a: {  	s1 =	srdreg.scid  }
0x8b: {  	s0 =	sand.u32 $0x1, s1  }
0x8c: {  	s17 =	sshll.u32 s0, $0xA;
	s2 =	sadd.s32 s3, s2  }
0x8d: {  	s2 =	sadd.s32 s2, s17  }
0x8e: {  	[smem:$0x3FC2] =	sst s2  }
0x8f: {  	_ = 	snop  }
0x90: {  	s2 =	sld [smem:$0x3FC6]  }
0x91: {  	s18 =	sld [smem:$0x3FD0];
	(tm) =	ssettm $0x1  }
0x92: {  	s4 =	sld [smem:$0x3FFB];
	_ =	sdelay $0x3  }
0x93: {  	_ =	strace s4  }
0x94: {  	s4 =	sld [smem:$0x3FFC];
	_ =	sdelay $0x3  }
0x95: {  	_ =	strace s4  }
0x96: {  	s4 =	sld [smem:$0x3FFD];
	_ =	sdelay $0x3  }
0x97: {  	_ =	strace s4  }
0x98: {  	_ =	strace $0x8FFFFFFF  }
0x99: {  	s19 =	sld [smem:$0x3FDB];
	_ =	sdelay $0x1  }
0x9a: {  	s5 =	simm.s32 $_scs_section_size  }
0x9b: {  	s6 =	simm.s32 $_size__tile_overlayer_lowered;
	s7 =	simm.s32 $_tile_overlayer_lowered  }
0x9c: {  	s22 =	simm.s32 $0x1BFF;
	s21 =	sshll.u32 s7, $0x1;
	s4 =	sadd.s32 s5, s19  }
0x9d: {  	s8 =	simm.s32 $0x0;
	s20 =	sshll.u32 s6, $0x1;
	s6 =	sadd.s32 s21, s4  }
0x9e: {  	[timem:s8], [sflag:s22] =	dma.local [hbm:s6], s20  }
0x9f: {  	_ =	swait.ge [sflag:s22], s20  }
0xa0: {  	s5 =	ssub.s32 $0x0, s20;
	[sflag:s22] =	ssyncset.done $0x0  }
0xa1: {  	[sflag:s22] =	ssyncadd.s32 s5;
	_ =	sdelay $0x1  }
0xa2: {  	s23 =	simm.s32 $0x1B8B  }
0xa3: {  	_ =	swait.ge [sflag:s23], $0x1  }
0xa4: {  	[sflag:s23] =	ssyncset.done $0x0  }
0xa5: {  	s25 =	simm.s32 $0x1B8E;
	s24 =	sld [smem:$0x3FFE];
	[sflag:s23] =	ssyncadd.s32 $0xFFFFFFFF  }
0xa6: {  	s26 =	simm.s32 $execute0_lowered;
	[smem:$0x3FD2] =	sst s25  }
0xa7: {  	s6 =	sshll.u32 s26, $0x1;
	_ =	strace $0x80000046;
	[dreg:$0x1] =	wrdreg $0xFFFFFFFF  }
0xa8: {  	s28 =	simm.s32 $_size_execute0_lowered;
	s4 =	sadd.s32 s4, s6;
	[dreg:$0x0] =	wrdreg $0x0  }
0xa9: {  	s6 =	sshll.u32 s28, $0x1;
	[dreg:$0x2] =	wrdreg s4  }
0xaa: {  	[dreg:$0x3] =	wrdreg s6  }
0xab: {  	[dreg:$0x4] =	wrdreg $0xC0  }
0xac: {  	_ =	task [dreg:s8], $0x5FFFF  }
0xad: {  	[dreg:$0x1] =	wrdreg $0xFFFFFFFF  }
0xae: {  	[dreg:$0x0] =	wrdreg $0x60  }
0xaf: {  	[dreg:$0x2] =	wrdreg s18  }
0xb0: {  	[dreg:$0x3] =	wrdreg s2  }
0xb1: {  	[dreg:$0x4] =	wrdreg s24  }
0xb2: {  	[dreg:$0x5] =	wrdreg $0x83000  }
0xb3: {  	[dreg:$0x6] =	wrdreg $0x9  }
0xb4: {  	_ =	task.clear_ibuf [dreg:s8], $0x7FFFF;
	_ =	strace $0x90000046  }
0xb5: {  	s29 =	simm.s32 $0x9;
	_ =	strace $0x80000048  }
0xb6: {  	_ =	swait.ge [sflag:s29], $0x1  }
0xb7: {  	[sflag:s29] =	ssyncadd.s32 $0xFFFFFFFF  }
0xb8: {  	_ =	strace $0x90000048  }
0xb9: {  	_ =	sfence  }
0xba: {  	s30 =	sld [smem:$0x0];
	_ =	sdelay $0x2  }
0xbb: {  	s31 =	sshll.u32 s1, $0xD;
	s1 =	sshrl.u32 s1, $0x2  }
0xbc: {  	s3 =	sand.u32 $0x4000, s31;
	s1 =	sadd.s32 s1, s30  }
0xbd: {  	s0 =	sor.u32 s3, s0;
	s1 =	sshll.u32 s1, $0x11  }
0xbe: {  	s0 =	sor.u32 s1, s0  }
0xbf: {  	s0 =	sadd.s32 $0x8F2B, s0  }
0xc0: {  	[sflag:s0] =	ssyncadd.remote.s32 $0x1  }
0xc1: {  	_ =	sfence.sel $0xFFFF  }
0xc2: {  	[dreg:$0x0] =	wrdreg $0xFFFFFFFF;
	(pc) =	sbr.abs _section_cstart, $3  }
0xc3: {  	[dreg:$0x1] =	wrdreg $0xFFFFFFFF  }
0xc4: {  	_ =	task.clear_ibuf [dreg:s8], $0x2FFFF;
	_ =	strace $0x9FFFFFFF  }
0xc5: {  	(tm) =	ssettm $0x7FFFFFFF  }
tec
execute0_lowered:
.L_overlay_start_1:
0x0: {  	(tag) =	ssettag $0x1  }
0x1: {  	s0 =	rddreg [dreg:$0x0]  }
0x2: {  	s2 =	rddreg [dreg:$0x1]  }
0x3: {  	s1 =	srdreg.scid;
	s3 =	rddreg [dreg:$0x2]  }
0x4: {  	s10 =	stileid.u32;
	s4 =	rddreg [dreg:$0x3]  }
0x5: {  	s5 =	simm.s32 $0x0;
	s28 =	simm.s32 $0x3;
	s29 =	simm.s32 $0x2  }
0x6: {  	s30 =	simm.s32 $0x6;
	s31 =	simm.s32 $0x0;
	s7 =	smul.u32 $0x14000, s10  }
0x7: {  	s1 =	sand.u32 $0x1, s1;
	[smem:$0x7FF] =	sst s5;
	s17 =	smul.u32 $0x4E, s10  }
0x8: {  	s16 =	smin.u32 s10, $0x2;
	p1 =	slt.u32 s10, $0x2;
	s18 =	smul.u32 $0x50000, s10  }
0x9: {  	s10 =	simm.s32 $0x80;
	s6 =	smul.u32 $0x140000, s1;
	s8 =	ssub.s32 $0x2, s1  }
0xa: {  	_ =	strace $0x80000047;
	p0 =	seq.s32 s1, $0x0;
	s9 =	sshrl.u32 s8, $0x1  }
0xb: {  	s1 =	sshrl.u32 s18, $0x2;
	s6 =	sadd.s32 s7, s6;
	s7 =	sshll.u32 s16, $0x1  }
0xc: {  	s19 =	ssub.s32 s8, s9;
	s9 =	sadd.s32 $0x10, s2;
	s12 =	sadd.s32 s1, s4  }
0xd: {  	s6 =	sshrl.u32 s6, $0x3;
	s7 =	simm.s32 @!p0 $0x4E4;
	s22 =	sadd.s32 $0x4000, s12  }
0xe: {  	s23 =	sadd.s32 $0x8000, s12;
	s24 =	sadd.s32 $0xC000, s12;
	[dreg:$0x8] =	wrdreg s22  }
0xf: {  	s25 =	sadd.s32 $0x10000, s12;
	s3 =	sadd.s32 s6, s3;
	[dreg:$0x9] =	wrdreg s23  }
0x10: {  	s6 =	simm.s32 $0x50;
	s7 =	sadd.s32 s17, s7;
	[dreg:$0xa] =	wrdreg s24  }
0x11: {  	[dreg:$0xb] =	wrdreg s25;
	s24 =	simm.s32 $0x300;
	s25 =	simm.s32 $0x7  }
0x12: {  	s6 =	simm.s32 @!p1 $0x4E;
	s11 =	sshll.u32 s7, $0x5;
	s26 =	sadd.s32 $0x1000, s3  }
0x13: {  	s8 =	sadd.s32 s2, s11;
	s11 =	sadd.s32 s11, s9;
	[dreg:$0xc] =	wrdreg s26  }
0x14: {  	s6 =	simm.s32 @!p0 $0x4E;
	[dreg:$0x5] =	wrdreg s11;
	s20 =	sadd.s32 $0x20, s8  }
0x15: {  	s26 =	simm.s32 $0x1;
	s21 =	sadd.s32 $0x30, s8;
	[dreg:$0x6] =	wrdreg s20  }
0x16: {  	v0 =	vimm.f32 $0.0e+00;
	s18 =	sadd.s32 $0xFFFFFFFF, s6;
	[dreg:$0x7] =	wrdreg s21;
	s20 =	smax.u32 s19, $0x1  }
.LBB2_1:
0x17: {  	[tilespmem:s5], [sflag:$0x1] =	stream.linear.gather [hbm4b:s8+s5], $0x80, $0x38;
	[tilespmem:$0x1C300] =	vst v63  }
0x18: {  	s1 =	rddreg [dreg:$0x5]  }
0x19: {  	s3 =	simm.s32 $0x100;
	s21 =	rddreg [dreg:$0x6]  }
0x1a: {  	[tilespmem:s3], [sflag:$0x1] =	stream.linear.gather [hbm4b:s1+s5], $0x80, $0x38;
	[tilespmem:$0x1C300] =	vst v63  }
0x1b: {  	s22 =	rddreg [dreg:$0x7]  }
0x1c: {  	[tilespmem:s10], [sflag:$0x2] =	stream.linear.gather [hbm4b:s21+s5], $0x80, $0x38;
	[tilespmem:$0x1C300] =	vst v63  }
0x1d: {  	s23 =	simm.s32 $0x180;
	s1 =	simm.s32 $0x0;
	s3 =	simm.s32 $0x200  }
0x1e: {  	[tilespmem:s23], [sflag:$0x2] =	stream.linear.gather [hbm4b:s22+s5], $0x80, $0x38;
	[tilespmem:$0x1C300] =	vst v63  }
.LBB2_2:
0x1f: {  	p0 =	sne.s32 s3, $0xFE00;
	[tilespmem:s1+$0x370] =	vst v0  }
0x20: {  	[tilespmem:s1+$0x300] =	vst v0  }
0x21: {  	[tilespmem:s1+$0x310] =	vst v0  }
.Ltmp0:
0x22: {  	[tilespmem:s1+$0x320] =	vst v0;
	(pc) =	sbr.rel @p0 .LBB2_2-.Ltmp0, $4  }
0x23: {  	[tilespmem:s1+$0x330] =	vst v0  }
0x24: {  	[tilespmem:s1+$0x340] =	vst v0  }
0x25: {  	[tilespmem:s1+$0x350] =	vst v0  }
0x26: {  	[tilespmem:s1+$0x360] =	vst v0;
	s1 =	sshra.s32 s3, $0x2;
	s3 =	sadd.s32 $0x200, s3  }
0x27: {  	[tilespmem:s1+$0x370] =	vst v0  }
0x28: {  	[tilespmem:s1+$0x300] =	vst v0  }
0x29: {  	[tilespmem:s1+$0x310] =	vst v0  }
0x2a: {  	[tilespmem:s1+$0x320] =	vst v0  }
0x2b: {  	[tilespmem:s1+$0x330] =	vst v0  }
0x2c: {  	[tilespmem:s1+$0x340] =	vst v0  }
0x2d: {  	[tilespmem:s1+$0x350] =	vst v0  }
0x2e: {  	[tilespmem:s1+$0x360] =	vst v0  }
0x2f: {  	[spmem:s12] =	stream.linear.scatter [tilespmem:s24], [sflag:$0x7], $0x4000, $0x38;
	[tilespmem:$0x1C300] =	vst v63  }
0x30: {  	_ =	swait.ge [sflag:s25], $0x4000  }
0x31: {  	[sflag:s25] =	ssyncset.done $0x0  }
0x32: {  	s17 =	rddreg [dreg:$0x8];
	[sflag:s25] =	ssyncadd.s32 $0xFFFFC000  }
0x33: {  	[spmem:s17] =	stream.linear.scatter [tilespmem:s24], [sflag:$0x7], $0x4000, $0x38;
	[tilespmem:$0x1C300] =	vst v63  }
0x34: {  	_ =	swait.ge [sflag:s25], $0x4000  }
0x35: {  	[sflag:s25] =	ssyncset.done $0x0  }
0x36: {  	s19 =	rddreg [dreg:$0x9];
	[sflag:s25] =	ssyncadd.s32 $0xFFFFC000  }
0x37: {  	[spmem:s19] =	stream.linear.scatter [tilespmem:s24], [sflag:$0x7], $0x4000, $0x38;
	[tilespmem:$0x1C300] =	vst v63  }
0x38: {  	_ =	swait.ge [sflag:s25], $0x4000  }
0x39: {  	[sflag:s25] =	ssyncset.done $0x0  }
0x3a: {  	s21 =	rddreg [dreg:$0xa];
	[sflag:s25] =	ssyncadd.s32 $0xFFFFC000  }
0x3b: {  	[spmem:s21] =	stream.linear.scatter [tilespmem:s24], [sflag:$0x7], $0x4000, $0x38;
	[tilespmem:$0x1C300] =	vst v63  }
0x3c: {  	_ =	swait.ge [sflag:s25], $0x4000  }
0x3d: {  	[sflag:s25] =	ssyncset.done $0x0  }
0x3e: {  	s22 =	rddreg [dreg:$0xb];
	[sflag:s25] =	ssyncadd.s32 $0xFFFFC000  }
0x3f: {  	[spmem:s22] =	stream.linear.scatter [tilespmem:s24], [sflag:$0x7], $0x4000, $0x38;
	[tilespmem:$0x1C300] =	vst v63  }
0x40: {  	_ =	swait.ge [sflag:s25], $0x4000  }
0x41: {  	[sflag:s25] =	ssyncset.done $0x0  }
0x42: {  	s23 =	simm.s32 $0x0;
	[sflag:s25] =	ssyncadd.s32 $0xFFFFC000  }
0x43: {  	s1 =	simm.s32 $0x1;
	s3 =	sand.u32 $0x1, s23;
	_ =	swait.ge [sflag:s26], $0x80  }
0x44: {  	p2 =	sne.s32 s6, $0x1;
	p3 =	seq.s32 s3, $0x1;
	[sflag:s26] =	ssyncset.done $0x0  }
0x45: {  	s3 =	simm.s32 @p3 $0x2;
	p1 =	por @!p3 $0x1, $0x1;
	[sflag:s26] =	ssyncadd.s32 $0xFFFFFF80  }
0x46: {  	p0 =	sgt.s32 @p3 s18, $0x2;
	p4 =	sgt.s32 @!p3 s18, $0x2;
	_ =	swait.ge [sflag:s26], $0x80  }
0x47: {  	s11 =	simm.s32 @p3 $0x5;
	p0 =	por !p0, !p3;
	[sflag:s26] =	ssyncset.done $0x0  }
0x48: {  	p4 =	por !p4, p3;
	s3 =	smov.u32 @p0 s18;
	[sflag:s26] =	ssyncadd.s32 $0xFFFFFF80  }
0x49: {  	[tilespmem:s24], [sflag:$0x3] =	stream.indirect.gather [hbm4b:s0+s10], $0x80, s23, s10, $0xb8;
	[tilespmem:$0x1C300] =	vst v63  }
0x4a: {  	p1 =	por p1, p1;
	s3 =	sadd.s32 @p3 s7, s3;
	[bflag:$0x0] =	sbarrier.arrive $0xFFFF  }
0x4b: {  	p0 =	por p3, p3;
	s3 =	sshll.u32 @p3 s3, $0x5;
	_ =	swait.ge @p3 [sflag:s11], $0x4000  }
0x4c: {  	s14 =	simm.s32 @p0 $0x1;
	s13 =	sadd.s32 @p3 s2, s3;
	[sflag:s11] =	ssyncset.done @p0 $0x0  }
.Ltmp1:
0x4d: {  	s21 =	simm.s32 @!p3 $0x2;
	[sflag:s11] =	ssyncadd.s32 @p0 $0xFFFFC000;
	(pc) =	sbr.rel @!p2 .LBB2_5-.Ltmp1, $4  }
0x4e: {  	s21 =	smov.u32 @p4 s18;
	s10 =	simm.s32 @p3 $0x80;
	_ =	swait.ge @p0 [sflag:s14], $0x80  }
0x4f: {  	s11 =	sadd.s32 @p3 s3, s9;
	s3 =	sadd.s32 @!p3 s7, s21;
	[sflag:s14] =	ssyncset.done @p0 $0x0  }
0x50: {  	s23 =	simm.s32 @p3 $0x0;
	s3 =	sshll.u32 @!p3 s3, $0x5;
	[sflag:s14] =	ssyncadd.s32 @p0 $0xFFFFFF80  }
0x51: {  	s21 =	sadd.s32 @!p3 s2, s3;
	s3 =	sadd.s32 @!p3 s3, s9;
	_ =	swait.ge @p0 [sflag:s14], $0x80  }
.LBB2_4:
0x52: {  	s15 =	smov.u32 s1;
	s1 =	sadd.s32 $0x1, s1  }
0x53: {  	p2 =	sne.s32 s6, s1;
	[sflag:s14] =	ssyncset.done @p0 $0x0  }
0x54: {  	s22 =	simm.s32 @p0 $0x4;
	[sflag:s14] =	ssyncadd.s32 @p0 $0xFFFFFF80;
	s14 =	simm.s32 @p0 $0x300  }
0x55: {  	[tilespmem:s14], [sflag:$0x3] =	stream.indirect.gather @p0 [hbm4b:s0+s10], $0x80, s23, s10, $0xb8;
	[tilespmem:$0x1C300] =	vst v63  }
0x56: {  	_ =	swait.ge @p0 [sflag:s22], $0x4000  }
0x57: {  	[sflag:s22] =	ssyncset.done @p0 $0x0  }
0x58: {  	[sflag:s22] =	ssyncadd.s32 @p0 $0xFFFFC000  }
0x59: {  	v1 =	vld @p0 [tilespmem:$0x1E0]  }
0x5a: {  	v2 =	vld @p0 [tilespmem:$0x1A0]  }
0x5b: {  	v3 =	vld @p0 [tilespmem:$0x1D0]  }
0x5c: {  	v4 =	vld @p0 [tilespmem:$0x1B0]  }
0x5d: {  	v5 =	vld @p0 [tilespmem:$0x1C0]  }
0x5e: {  	v6 =	vld @p0 [tilespmem:$0x180];
	[tilespmem:$0x2E0] =	vst @p0 v1  }
0x5f: {  	v1 =	vld @p0 [tilespmem:$0x190];
	[tilespmem:$0x2A0] =	vst @p0 v2  }
0x60: {  	s14 =	sand.u32 $0x1, s15;
	[tilespmem:$0x2D0] =	vst @p0 v3;
	v2 =	vld @p0 [tilespmem:$0x1F0]  }
0x61: {  	[tilespmem:$0x2B0] =	vst @p0 v4  }
0x62: {  	p3 =	seq.s32 s14, $0x1;
	[tilespmem:$0x2C0] =	vst @p0 v5  }
0x63: {  	s14 =	sadd.s32 @p3 $0x2, s15;
	p4 =	seq.s32 @!p3 s15, $0x0;
	s15 =	sadd.s32 @!p3 $0x2, s15;
	[tilespmem:$0x280] =	vst @p0 v6  }
0x64: {  	p5 =	slt.s32 @p3 s14, s18;
	p6 =	slt.s32 @!p3 s15, s18;
	[tilespmem:$0x290] =	vst @p0 v1  }
0x65: {  	s16 =	simm.s32 @p0 $0x4300;
	s22 =	simm.s32 @p0 $0x280;
	p5 =	por !p5, !p3;
	[tilespmem:$0x2F0] =	vst @p0 v2  }
0x66: {  	[spmem:s4] =	stream.indirect.scatter.add.f32 @p0 [tilespmem:s16], [sflag:$0x6], $0x80, s22, s10, $0xb8;
	[tilespmem:$0x1C300] =	vst v63  }
0x67: {  	s14 =	smov.u32 @p5 s18;
	p5 =	por !p6, p3  }
0x68: {  	[tilespmem:s10], [sflag:$0x2] =	stream.linear.gather @p0 [hbm4b:s13+s23], $0x80, $0x38;
	[tilespmem:$0x1C300] =	vst v63  }
0x69: {  	p1 =	por p1, p0;
	s10 =	sadd.s32 @p3 s7, s14;
	s13 =	simm.s32 @p0 $0x180  }
0x6a: {  	[tilespmem:s13], [sflag:$0x2] =	stream.linear.gather @p0 [hbm4b:s11+s23], $0x80, $0x38;
	[tilespmem:$0x1C300] =	vst v63  }
0x6b: {  	s15 =	smov.u32 @p5 s18;
	s14 =	simm.s32 @!p1 $0x6;
	s11 =	sshll.u32 @p3 s10, $0x5  }
0x6c: {  	s10 =	simm.s32 @p3 $0x80;
	s23 =	simm.s32 @p3 $0x0;
	_ =	swait.ge @!p1 [sflag:s14], $0x4000  }
0x6d: {  	s13 =	sadd.s32 @p3 s2, s11;
	s11 =	sadd.s32 @p3 s11, s9;
	[sflag:s14] =	ssyncset.done @!p1 $0x0  }
0x6e: {  	s15 =	sadd.s32 @!p3 s7, s15;
	s16 =	simm.s32 @!p0 $0x2;
	[sflag:s14] =	ssyncadd.s32 @!p1 $0xFFFFC000  }
0x6f: {  	s14 =	sshll.u32 @!p3 s15, $0x5;
	p1 =	por p4, p4;
	_ =	swait.ge @!p0 [sflag:s16], $0x80  }
0x70: {  	s15 =	sadd.s32 @!p3 s2, s14;
	s14 =	sadd.s32 @!p3 s14, s9;
	[sflag:s16] =	ssyncset.done @!p0 $0x0  }
0x71: {  	[sflag:s16] =	ssyncadd.s32 @!p0 $0xFFFFFF80  }
0x72: {  	_ =	swait.ge @!p0 [sflag:s16], $0x80  }
0x73: {  	s22 =	simm.s32 @!p0 $0x3;
	[sflag:s16] =	ssyncset.done @!p0 $0x0  }
0x74: {  	s17 =	simm.s32 @!p0 $0x4300;
	[sflag:s16] =	ssyncadd.s32 @!p0 $0xFFFFFF80;
	s16 =	simm.s32 @!p0 $0x80  }
0x75: {  	[tilespmem:s17], [sflag:$0x4] =	stream.indirect.gather @!p0 [hbm4b:s0+s16], $0x80, s16, s16, $0xb8;
	[tilespmem:$0x1C300] =	vst v63  }
0x76: {  	_ =	swait.ge @!p0 [sflag:s22], $0x4000  }
0x77: {  	[sflag:s22] =	ssyncset.done @!p0 $0x0  }
0x78: {  	[sflag:s22] =	ssyncadd.s32 @!p0 $0xFFFFC000  }
0x79: {  	v1 =	vld @!p0 [tilespmem:$0x100]  }
0x7a: {  	v2 =	vld @!p0 [tilespmem:$0x110]  }
0x7b: {  	v3 =	vld @!p0 [tilespmem:$0x120]  }
0x7c: {  	v4 =	vld @!p0 [tilespmem:$0x130]  }
0x7d: {  	v5 =	vld @!p0 [tilespmem:$0x150]  }
0x7e: {  	[tilespmem:$0x200] =	vst @!p0 v1;
	v1 =	vld @!p0 [tilespmem:$0x160]  }
0x7f: {  	[tilespmem:$0x210] =	vst @!p0 v2;
	v2 =	vld @!p0 [tilespmem:$0x170]  }
0x80: {  	[tilespmem:$0x220] =	vst @!p0 v3;
	v3 =	vld @!p0 [tilespmem:$0x140]  }
0x81: {  	[tilespmem:$0x230] =	vst @!p0 v4  }
0x82: {  	[tilespmem:$0x250] =	vst @!p0 v5  }
0x83: {  	[tilespmem:$0x260] =	vst @!p0 v1  }
0x84: {  	s17 =	simm.s32 @!p0 $0x200;
	s22 =	simm.s32 @!p0 $0x300;
	[tilespmem:$0x270] =	vst @!p0 v2  }
0x85: {  	s19 =	simm.s32 @!p0 $0x0;
	[tilespmem:$0x240] =	vst @!p0 v3  }
0x86: {  	[spmem:s4] =	stream.indirect.scatter.add.f32 @!p0 [tilespmem:s22], [sflag:$0x5], $0x80, s17, s16, $0xb8;
	[tilespmem:$0x1C300] =	vst v63  }
0x87: {  	s16 =	simm.s32 @!p0 $0x100  }
0x88: {  	[tilespmem:s19], [sflag:$0x1] =	stream.linear.gather @!p0 [hbm4b:s21+s19], $0x80, $0x38;
	[tilespmem:$0x1C300] =	vst v63  }
0x89: {  	s17 =	simm.s32 @p3 $0x5;
	s21 =	smov.u32 s15  }
0x8a: {  	[tilespmem:s16], [sflag:$0x1] =	stream.linear.gather @!p0 [hbm4b:s3+s19], $0x80, $0x38;
	[tilespmem:$0x1C300] =	vst v63  }
0x8b: {  	s3 =	smov.u32 s14;
	p0 =	por p3, p3;
	_ =	swait.ge @p3 [sflag:s17], $0x4000  }
0x8c: {  	s14 =	simm.s32 @p0 $0x1;
	[sflag:s17] =	ssyncset.done @p0 $0x0  }
.Ltmp2:
0x8d: {  	[sflag:s17] =	ssyncadd.s32 @p0 $0xFFFFC000;
	(pc) =	sbr.rel @p2 .LBB2_4-.Ltmp2, $4  }
0x8e: {  	_ =	swait.ge @p0 [sflag:s14], $0x80  }
0x8f: {  	[sflag:s14] =	ssyncset.done @p0 $0x0  }
0x90: {  	[sflag:s14] =	ssyncadd.s32 @p0 $0xFFFFFF80  }
0x91: {  	_ =	swait.ge @p0 [sflag:s14], $0x80  }
.LBB2_5:
0x92: {  	[sflag:s14] =	ssyncset.done @p0 $0x0  }
0x93: {  	s1 =	simm.s32 @p0 $0x300;
	[sflag:s14] =	ssyncadd.s32 @p0 $0xFFFFFF80;
	s14 =	simm.s32 @p0 $0x4  }
0x94: {  	[tilespmem:s1], [sflag:$0x3] =	stream.indirect.gather @p0 [hbm4b:s0+s10], $0x80, s23, s10, $0xb8;
	[tilespmem:$0x1C300] =	vst v63  }
0x95: {  	_ =	swait.ge @p0 [sflag:s14], $0x4000  }
0x96: {  	[sflag:s14] =	ssyncset.done @p0 $0x0  }
0x97: {  	[sflag:s14] =	ssyncadd.s32 @p0 $0xFFFFC000  }
0x98: {  	v1 =	vld @p0 [tilespmem:$0x1E0]  }
0x99: {  	v2 =	vld @p0 [tilespmem:$0x1A0]  }
0x9a: {  	v3 =	vld @p0 [tilespmem:$0x1D0]  }
0x9b: {  	v4 =	vld @p0 [tilespmem:$0x1B0]  }
0x9c: {  	v5 =	vld @p0 [tilespmem:$0x1C0]  }
0x9d: {  	v6 =	vld @p0 [tilespmem:$0x180];
	[tilespmem:$0x2E0] =	vst @p0 v1  }
0x9e: {  	v1 =	vld @p0 [tilespmem:$0x190];
	[tilespmem:$0x2A0] =	vst @p0 v2  }
0x9f: {  	[tilespmem:$0x2D0] =	vst @p0 v3;
	v2 =	vld @p0 [tilespmem:$0x1F0]  }
0xa0: {  	[tilespmem:$0x2B0] =	vst @p0 v4  }
0xa1: {  	[tilespmem:$0x2C0] =	vst @p0 v5  }
0xa2: {  	[tilespmem:$0x280] =	vst @p0 v6  }
0xa3: {  	[tilespmem:$0x290] =	vst @p0 v1  }
0xa4: {  	s1 =	simm.s32 @p0 $0x280;
	s14 =	simm.s32 @p0 $0x4300;
	[tilespmem:$0x2F0] =	vst @p0 v2  }
0xa5: {  	[spmem:s4] =	stream.indirect.scatter.add.f32 @p0 [tilespmem:s14], [sflag:$0x6], $0x80, s1, s10, $0xb8;
	[tilespmem:$0x1C300] =	vst v63  }
0xa6: {  	_ = 	snop  }
0xa7: {  	[tilespmem:s10], [sflag:$0x2] =	stream.linear.gather @p0 [hbm4b:s13+s23], $0x80, $0x38;
	[tilespmem:$0x1C300] =	vst v63  }
0xa8: {  	p1 =	por p1, p0;
	s1 =	simm.s32 @p0 $0x180  }
0xa9: {  	[tilespmem:s1], [sflag:$0x2] =	stream.linear.gather @p0 [hbm4b:s11+s23], $0x80, $0x38;
	[tilespmem:$0x1C300] =	vst v63  }
0xaa: {  	s1 =	simm.s32 @!p1 $0x6  }
0xab: {  	_ =	swait.ge @!p1 [sflag:s1], $0x4000  }
0xac: {  	[sflag:s1] =	ssyncset.done @!p1 $0x0  }
0xad: {  	[sflag:s1] =	ssyncadd.s32 @!p1 $0xFFFFC000;
	s1 =	simm.s32 @!p0 $0x2  }
0xae: {  	_ =	swait.ge @!p0 [sflag:s1], $0x80  }
0xaf: {  	[sflag:s1] =	ssyncset.done @!p0 $0x0  }
0xb0: {  	[sflag:s1] =	ssyncadd.s32 @!p0 $0xFFFFFF80  }
0xb1: {  	_ =	swait.ge @!p0 [sflag:s1], $0x80  }
0xb2: {  	s10 =	simm.s32 @!p0 $0x3;
	[sflag:s1] =	ssyncset.done @!p0 $0x0  }
0xb3: {  	s11 =	simm.s32 @!p0 $0x4300;
	[sflag:s1] =	ssyncadd.s32 @!p0 $0xFFFFFF80;
	s1 =	simm.s32 @!p0 $0x80  }
0xb4: {  	[tilespmem:s11], [sflag:$0x4] =	stream.indirect.gather @!p0 [hbm4b:s0+s1], $0x80, s1, s1, $0xb8;
	[tilespmem:$0x1C300] =	vst v63  }
0xb5: {  	_ =	swait.ge @!p0 [sflag:s10], $0x4000  }
0xb6: {  	[sflag:s10] =	ssyncset.done @!p0 $0x0  }
0xb7: {  	[sflag:s10] =	ssyncadd.s32 @!p0 $0xFFFFC000  }
0xb8: {  	v1 =	vld @!p0 [tilespmem:$0x100]  }
0xb9: {  	v2 =	vld @!p0 [tilespmem:$0x110]  }
0xba: {  	v3 =	vld @!p0 [tilespmem:$0x120]  }
0xbb: {  	v4 =	vld @!p0 [tilespmem:$0x130]  }
0xbc: {  	v5 =	vld @!p0 [tilespmem:$0x150]  }
0xbd: {  	[tilespmem:$0x200] =	vst @!p0 v1;
	v1 =	vld @!p0 [tilespmem:$0x160]  }
0xbe: {  	[tilespmem:$0x210] =	vst @!p0 v2;
	v2 =	vld @!p0 [tilespmem:$0x170]  }
0xbf: {  	[tilespmem:$0x220] =	vst @!p0 v3;
	v3 =	vld @!p0 [tilespmem:$0x140]  }
0xc0: {  	[tilespmem:$0x230] =	vst @!p0 v4  }
0xc1: {  	[tilespmem:$0x250] =	vst @!p0 v5  }
0xc2: {  	[tilespmem:$0x260] =	vst @!p0 v1  }
0xc3: {  	[tilespmem:$0x270] =	vst @!p0 v2  }
0xc4: {  	s11 =	simm.s32 @!p0 $0x300;
	s10 =	simm.s32 @!p0 $0x200;
	[tilespmem:$0x240] =	vst @!p0 v3  }
0xc5: {  	[spmem:s4] =	stream.indirect.scatter.add.f32 @!p0 [tilespmem:s11], [sflag:$0x5], $0x80, s10, s1, $0xb8;
	[tilespmem:$0x1C300] =	vst v63  }
0xc6: {  	s1 =	simm.s32 @!p0 $0x0  }
0xc7: {  	[tilespmem:s1], [sflag:$0x1] =	stream.linear.gather @!p0 [hbm4b:s21+s1], $0x80, $0x38;
	[tilespmem:$0x1C300] =	vst v63  }
0xc8: {  	s10 =	simm.s32 @!p0 $0x100  }
0xc9: {  	[tilespmem:s10], [sflag:$0x1] =	stream.linear.gather @!p0 [hbm4b:s3+s1], $0x80, $0x38;
	[tilespmem:$0x1C300] =	vst v63  }
0xca: {  	_ =	swait.ge [sflag:s28], $0x4000  }
0xcb: {  	[sflag:s28] =	ssyncset.done $0x0  }
0xcc: {  	[sflag:s28] =	ssyncadd.s32 $0xFFFFC000  }
0xcd: {  	_ =	swait.ge [sflag:s29], $0x80  }
0xce: {  	[sflag:s29] =	ssyncset.done $0x0  }
0xcf: {  	[sflag:s29] =	ssyncadd.s32 $0xFFFFFF80  }
0xd0: {  	_ =	swait.ge [sflag:s29], $0x80  }
0xd1: {  	[sflag:s29] =	ssyncset.done $0x0  }
0xd2: {  	[sflag:s29] =	ssyncadd.s32 $0xFFFFFF80  }
0xd3: {  	_ =	swait.ge [sflag:s30], $0x4000  }
0xd4: {  	s22 =	sshrl.u32 s12, $0x3;
	[sflag:s30] =	ssyncset.done $0x0  }
0xd5: {  	s31 =	sadd.s32 $0x1, s31;
	s21 =	stileid.u32;
	[sflag:s30] =	ssyncadd.s32 $0xFFFFC000  }
0xd6: {  	s1 =	sshll.u32 s21, $0x6;
	p0 =	sne.s32 s31, s20;
	[bflag:$0x0] =	sbarrier.arrive $0xFFFF  }
.Ltmp3:
0xd7: {  	s1 =	sor.u32 $0x1C07, s1;
	s23 =	rddreg [dreg:$0xc];
	(pc) =	sbr.rel @p0 .LBB2_1-.Ltmp3, $4  }
0xd8: {  	[hbm:s23], [sflag:s1] =	dma.local [spmem:s22], $0x2800  }
0xd9: {  	_ =	swait.ge [sflag:s25], $0x2800  }
0xda: {  	[sflag:s25] =	ssyncset.done $0x0  }
0xdb: {  	s10 =	simm.s32 $0x80;
	[sflag:s25] =	ssyncadd.s32 $0xFFFFD800  }
0xdc: {  	_ =	sfence.sel $0x180000  }
0xdd: {  	[bflag:$0x0] =	sbarrier.arrive $0xFFFF  }
0xde: {  	_ =	strace $0x90000047  }
0xdf: {  	s0 =	stileid.u32;
	[bflag:$0x2] =	sbarrier.arrive $0xFFFF  }
0xe0: {  	p0 =	sne.s32 s0, $0x0;
	s0 =	rddreg [dreg:$0x4]  }
0xe1: {  	s0 =	sadd.s32 @!p0 $0x100000, s0  }
0xe2: {  	[sflag:s0] =	ssyncadd.tile.s32 @!p0 $0x1;
	_ =	shalt  }
.Lfunc_end2:
_tile_overlayer_lowered:
.L_overlay_start_2:
0xe3: {  	(tag) =	ssettag $0x2  }
0xe4: {  	s0 =	rddreg [dreg:$0x0];
	s2 =	stileid.u32  }
0xe5: {  	s1 =	rddreg [dreg:$0x1];
	p0 =	sne.s32 s2, $0x0  }
0xe6: {  	s3 =	rddreg [dreg:$0x2];
	[bflag:$0x3] =	sbarrier.arrive $0xFFFF;
	s2 =	simm.s32 @!p0 $0x1C07  }
0xe7: {  	[timem:s3], [sflag:s2] =	dma.local @!p0 [hbm:s0], s1  }
0xe8: {  	s0 =	simm.s32 @!p0 $0x7  }
0xe9: {  	_ =	swait.ge @!p0 [sflag:s0], s1  }
0xea: {  	s1 =	ssub.s32 @!p0 $0x0, s1;
	[sflag:s0] =	ssyncset.done @!p0 $0x0  }
0xeb: {  	[sflag:s0] =	ssyncadd.s32 @!p0 s1  }
0xec: {  	[bflag:$0x3] =	sbarrier.arrive $0xFFFF  }
0xed: {  	_ =	shalt  }

</sc_bundles>
